<compile_context>
chip_gen: v7x
topology: tpu7x:2x2x1
jax: 0.10.2.dev20260603
libtpu: 0.0.44.dev20260713+nightly
codegen_flags: <defaults>
</compile_context>

<pallas_src>
import functools

import jax
import jax.numpy as jnp
from jax import lax
from jax.experimental import pallas as pl
from jax.experimental.pallas import tpu as pltpu
from jax.experimental.pallas import tpu_sc as plsc

NN = 10000
EE = 320000
HH = 128

NC = 2
NS = 16
NW = NC * NS
CH = 128
NCH = 80
NBLK = 2
CPB = NCH // NBLK
EPT = NCH * CH
EPAD = NW * EPT
NPAD = 10240
ZR = NPAD // NS

BN_ = 2000
NB = NN // BN_

_f32 = jnp.float32


def _mm_t(a, w):
  return lax.dot_general(a, w, (((1,), (1,)), ((), ())),
                         preferred_element_type=_f32)



def _make_seg(with_cnt):
  mesh = plsc.VectorSubcoreMesh(core_axis_name="c", subcore_axis_name="s",
                                num_cores=NC, num_subcores=NS)

  out_type = [jax.ShapeDtypeStruct((NC, NPAD, HH), _f32)]
  scratch = [
      pltpu.VMEM((2, CPB, CH), jnp.int32),
      pltpu.VMEM((CH, HH), _f32),
      pltpu.VMEM((CH, HH), _f32),
      pltpu.VMEM_SHARED((NPAD, HH), _f32),
      pltpu.SemaphoreType.DMA,
      pltpu.SemaphoreType.DMA,
  ]
  if with_cnt:
    out_type.append(jax.ShapeDtypeStruct((NC, NPAD, HH), _f32))

  def body(*refs):
    if with_cnt:
      (t, eidx, zseg, onesh,
       seg_o, cnt_o,
       sdall, rows_a, rows_b, acc, sem_a, sem_b) = refs
    else:
      (t, eidx, zseg,
       seg_o,
       sdall, rows_a, rows_b, acc, sem_a, sem_b) = refs

    c = lax.axis_index("c")
    s = lax.axis_index("s")
    wid = c * NS + s

    pltpu.sync_copy(zseg, acc.at[pl.ds(s * ZR, ZR)])
    plsc.subcore_barrier()

    def blk(bk, carry):
      pltpu.sync_copy(eidx.at[wid, :, pl.ds(bk * CPB, CPB)], sdall)
      pltpu.async_copy(t.at[sdall.at[0, 0]], rows_a, sem_a)
      pltpu.async_copy(t.at[sdall.at[0, 1]], rows_b, sem_b)

      def step(k, carry2):
        i0 = 2 * k
        pltpu.make_async_copy(t.at[sdall.at[0, i0]], rows_a, sem_a).wait()
        pltpu.sync_copy(rows_a, acc.at[sdall.at[1, i0]], add=True)

        @pl.when(k < CPB // 2 - 1)
        def _():
          pltpu.async_copy(t.at[sdall.at[0, i0 + 2]], rows_a, sem_a)

        pltpu.make_async_copy(t.at[sdall.at[0, i0 + 1]], rows_b, sem_b).wait()
        pltpu.sync_copy(rows_b, acc.at[sdall.at[1, i0 + 1]], add=True)

        @pl.when(k < CPB // 2 - 1)
        def _():
          pltpu.async_copy(t.at[sdall.at[0, i0 + 3]], rows_b, sem_b)

        return carry2

      lax.fori_loop(0, CPB // 2, step, 0)
      return carry

    lax.fori_loop(0, NBLK, blk, 0)
    plsc.subcore_barrier()

    pltpu.sync_copy(acc.at[pl.ds(s * ZR, ZR)], seg_o.at[c, pl.ds(s * ZR, ZR)])

    if with_cnt:
      pltpu.sync_copy(zseg, acc.at[pl.ds(s * ZR, ZR)])
      pltpu.sync_copy(onesh, rows_a)
      plsc.subcore_barrier()

      def cblk(bk, carry):
        pltpu.sync_copy(eidx.at[wid, :, pl.ds(bk * CPB, CPB)], sdall)

        def cstep(k, carry2):
          pltpu.sync_copy(rows_a, acc.at[sdall.at[1, k]], add=True)
          return carry2

        lax.fori_loop(0, CPB, cstep, 0)
        return carry

      lax.fori_loop(0, NBLK, cblk, 0)
      plsc.subcore_barrier()
      pltpu.sync_copy(acc.at[pl.ds(s * ZR, ZR)],
                      cnt_o.at[c, pl.ds(s * ZR, ZR)])

  return pl.kernel(body, out_type=tuple(out_type), mesh=mesh,
                   scratch_types=scratch)


@functools.cache
def _get_seg(with_cnt):
  return _make_seg(with_cnt)



def _pre_body(x_ref, wl_ref, wr_ref, b_ref, t_ref, r_ref):
  xb = x_ref[...]
  t_ref[...] = _mm_t(xb, wl_ref[...])
  r_ref[...] = _mm_t(xb, wr_ref[...]) + b_ref[...]


_pre = pl.pallas_call(
    _pre_body,
    grid=(NB,),
    in_specs=[
        pl.BlockSpec((BN_, HH), lambda i: (i, 0)),
        pl.BlockSpec((HH, HH), lambda i: (0, 0)),
        pl.BlockSpec((HH, HH), lambda i: (0, 0)),
        pl.BlockSpec((1, HH), lambda i: (0, 0)),
    ],
    out_specs=[
        pl.BlockSpec((BN_, HH), lambda i: (i, 0)),
        pl.BlockSpec((BN_, HH), lambda i: (i, 0)),
    ],
    out_shape=[jax.ShapeDtypeStruct((NN, HH), _f32)] * 2,
)


def _bn_coeffs(st, g, be):
  m = st[0:1, :] * (1.0 / NN)
  v = st[1:2, :] * (1.0 / NN) - m * m
  sc = g / jnp.sqrt(v + 1e-5)
  sh = be - m * sc
  return sc, sh



def _ab_idx(i):
  return (jnp.minimum(i, NB - 1), 0)


def _out_idx(i):
  return (jnp.maximum(i - NB, 0), 0)


def _comb_apply_body(p0_ref, p1_ref, c0_ref, c1_ref, r_ref, g_ref, be_ref,
                     wl_ref, wr_ref, b_ref, t_ref, r2_ref, y_scr, st_scr):
  i = pl.program_id(0)

  @pl.when(i == 0)
  def _():
    st_scr[...] = jnp.zeros_like(st_scr)

  @pl.when(i < NB)
  def _():
    cnt = jnp.maximum(c0_ref[...] + c1_ref[...], 1.0)
    y = (p0_ref[...] + p1_ref[...]) / cnt[:, 0:1] + r_ref[...]
    y_scr[pl.ds(i * BN_, BN_), :] = y
    st_scr[0:1, :] += jnp.sum(y, axis=0, keepdims=True)
    st_scr[1:2, :] += jnp.sum(y * y, axis=0, keepdims=True)

  @pl.when(i >= NB)
  def _():
    sc, sh = _bn_coeffs(st_scr[...], g_ref[...], be_ref[...])
    h = jnp.maximum(y_scr[pl.ds((i - NB) * BN_, BN_), :] * sc + sh, 0.0)
    t_ref[...] = _mm_t(h, wl_ref[...])
    r2_ref[...] = _mm_t(h, wr_ref[...]) + b_ref[...]


_comb_apply = pl.pallas_call(
    _comb_apply_body,
    grid=(2 * NB,),
    in_specs=[
        pl.BlockSpec((BN_, HH), _ab_idx),
        pl.BlockSpec((BN_, HH), _ab_idx),
        pl.BlockSpec((BN_, HH), _ab_idx),
        pl.BlockSpec((BN_, HH), _ab_idx),
        pl.BlockSpec((BN_, HH), _ab_idx),
        pl.BlockSpec((1, HH), lambda i: (0, 0)),
        pl.BlockSpec((1, HH), lambda i: (0, 0)),
        pl.BlockSpec((HH, HH), lambda i: (0, 0)),
        pl.BlockSpec((HH, HH), lambda i: (0, 0)),
        pl.BlockSpec((1, HH), lambda i: (0, 0)),
    ],
    out_specs=[
        pl.BlockSpec((BN_, HH), _out_idx),
        pl.BlockSpec((BN_, HH), _out_idx),
    ],
    out_shape=[jax.ShapeDtypeStruct((NN, HH), _f32)] * 2,
    scratch_shapes=[
        pltpu.VMEM((NN, HH), _f32),
        pltpu.VMEM((8, HH), _f32),
    ],
)


def _comb_fin_body(p0_ref, p1_ref, c0_ref, c1_ref, r_ref, g_ref, be_ref,
                   wc1_ref, bc1_ref, wc2_ref, bc2_ref, o_ref, y_scr, st_scr):
  i = pl.program_id(0)

  @pl.when(i == 0)
  def _():
    st_scr[...] = jnp.zeros_like(st_scr)

  @pl.when(i < NB)
  def _():
    cnt = jnp.maximum(c0_ref[...] + c1_ref[...], 1.0)
    y = (p0_ref[...] + p1_ref[...]) / cnt[:, 0:1] + r_ref[...]
    y_scr[pl.ds(i * BN_, BN_), :] = y
    st_scr[0:1, :] += jnp.sum(y, axis=0, keepdims=True)
    st_scr[1:2, :] += jnp.sum(y * y, axis=0, keepdims=True)

  @pl.when(i >= NB)
  def _():
    sc, sh = _bn_coeffs(st_scr[...], g_ref[...], be_ref[...])
    h = jnp.maximum(y_scr[pl.ds((i - NB) * BN_, BN_), :] * sc + sh, 0.0)
    cmid = jnp.maximum(_mm_t(h, wc1_ref[...]) + bc1_ref[...], 0.0)
    o_ref[...] = _mm_t(cmid, wc2_ref[...]) + bc2_ref[...]


_comb_fin = pl.pallas_call(
    _comb_fin_body,
    grid=(2 * NB,),
    in_specs=[
        pl.BlockSpec((BN_, HH), _ab_idx),
        pl.BlockSpec((BN_, HH), _ab_idx),
        pl.BlockSpec((BN_, HH), _ab_idx),
        pl.BlockSpec((BN_, HH), _ab_idx),
        pl.BlockSpec((BN_, HH), _ab_idx),
        pl.BlockSpec((1, HH), lambda i: (0, 0)),
        pl.BlockSpec((1, HH), lambda i: (0, 0)),
        pl.BlockSpec((HH // 2, HH), lambda i: (0, 0)),
        pl.BlockSpec((1, HH // 2), lambda i: (0, 0)),
        pl.BlockSpec((8, HH // 2), lambda i: (0, 0)),
        pl.BlockSpec((1, 8), lambda i: (0, 0)),
    ],
    out_specs=[pl.BlockSpec((BN_, 8), _out_idx)],
    out_shape=[jax.ShapeDtypeStruct((NN, 8), _f32)],
    scratch_shapes=[
        pltpu.VMEM((NN, HH), _f32),
        pltpu.VMEM((8, HH), _f32),
    ],
)



def kernel(x, edge_index, W1l, b1l, W1r, g1, be1, W2l, b2l, W2r, g2, be2,
           Wc1, bc1, Wc2, bc2):
  src = edge_index[0]
  dst = edge_index[1]
  srcp = jnp.concatenate(
      [src, jnp.zeros((EPAD - EE,), jnp.int32)]).reshape(NW, NCH, CH)
  dstp = jnp.concatenate(
      [dst, jnp.full((EPAD - EE,), NPAD - 1, jnp.int32)]).reshape(NW, NCH, CH)
  eidxp = jnp.stack([srcp, dstp], axis=1)

  zseg = jnp.zeros((ZR, HH), _f32)
  onesh = jnp.ones((CH, HH), _f32)
  wc2p = jnp.zeros((8, HH // 2), _f32).at[:3, :].set(Wc2)
  bc2p = jnp.zeros((1, 8), _f32).at[0, :3].set(bc2)

  t1, r1 = _pre(x, W1l, W1r, b1l.reshape(1, HH))
  segp, cntp = _get_seg(True)(t1, eidxp, zseg, onesh)
  c0, c1 = cntp[0], cntp[1]
  t2, r2 = _comb_apply(segp[0], segp[1], c0, c1, r1,
                       g1.reshape(1, HH), be1.reshape(1, HH),
                       W2l, W2r, b2l.reshape(1, HH))
  seg2p = _get_seg(False)(t2, eidxp, zseg)
  if isinstance(seg2p, (tuple, list)):
    seg2p = seg2p[0]
  (o,) = _comb_fin(seg2p[0], seg2p[1], c0, c1, r2,
                   g2.reshape(1, HH), be2.reshape(1, HH),
                   Wc1, bc1.reshape(1, HH // 2), wc2p, bc2p)
  return o[:, :3]

# --- scband reference (transcript-rebuilt; emitter-appended) ---
"""Pipeline reference for scband-homogeneous-gnn-76252849373267 (READ-ONLY COPY).

The authoritative reference and input builder live on the scoring server;
editing this copy changes nothing except your own understanding.
"""

import jax, jax.numpy as jnp
import numpy as np

N = 10000
E = 320000
D = 128
H = 128
O = 3

def setup_inputs(seed: int = 0) -> dict:
    key = jax.random.key(seed)
    ks = jax.random.split(key, 20)
    s = 0.05
    inp = {
        'x': jax.random.normal(ks[0], (N, D), dtype=jnp.float32),
        'edge_index': jax.random.randint(ks[1], (2, E), 0, N, dtype=jnp.int32),
        'W1l': jax.random.normal(ks[2], (H, D), dtype=jnp.float32) * s,
        'b1l': jnp.zeros((H,), dtype=jnp.float32),
        'W1r': jax.random.normal(ks[3], (H, D), dtype=jnp.float32) * s,
        'g1': jnp.ones((H,), dtype=jnp.float32),
        'be1': jnp.zeros((H,), dtype=jnp.float32),
        'W2l': jax.random.normal(ks[4], (H, H), dtype=jnp.float32) * s,
        'b2l': jnp.zeros((H,), dtype=jnp.float32),
        'W2r': jax.random.normal(ks[5], (H, H), dtype=jnp.float32) * s,
        'g2': jnp.ones((H,), dtype=jnp.float32),
        'be2': jnp.zeros((H,), dtype=jnp.float32),
        'Wc1': jax.random.normal(ks[6], (H // 2, H), dtype=jnp.float32) * s,
        'bc1': jnp.zeros((H // 2,), dtype=jnp.float32),
        'Wc2': jax.random.normal(ks[7], (O, H // 2), dtype=jnp.float32) * s,
        'bc2': jnp.zeros((O,), dtype=jnp.float32),
    }
    return inp

def _sage_conv(x, src, dst, Wl, bl, Wr):
    # PyG SAGEConv (mean aggr): out = lin_l(mean_{j in N(i)} x_j) + lin_r(x_i)
    msgs = jnp.take(x, src, axis=0)
    summed = jax.ops.segment_sum(msgs, dst, num_segments=N)
    cnt = jax.ops.segment_sum(jnp.ones((src.shape[0], 1), dtype=x.dtype), dst, num_segments=N)
    agg = summed / jnp.maximum(cnt, 1.0)
    return agg @ Wl.T + bl + x @ Wr.T

def _batch_norm(x, g, b, eps=1e-5):
    m = jnp.mean(x, axis=0)
    v = jnp.var(x, axis=0)
    return g * (x - m) / jnp.sqrt(v + eps) + b

def reference(x, edge_index, W1l, b1l, W1r, g1, be1, W2l, b2l, W2r, g2, be2, Wc1, bc1, Wc2, bc2):
    src = edge_index[0]
    dst = edge_index[1]
    h = _sage_conv(x, src, dst, W1l, b1l, W1r)
    h = _batch_norm(h, g1, be1)
    h = jax.nn.relu(h)
    h = _sage_conv(h, src, dst, W2l, b2l, W2r)
    h = _batch_norm(h, g2, be2)
    h = jax.nn.relu(h)
    # classifier (dropout is identity in eval)
    h = h @ Wc1.T + bc1
    h = jax.nn.relu(h)
    out = h @ Wc2.T + bc2
    return out

if __name__ == "__main__":
    import jax
    _d = setup_inputs()
    print(jax.jit(kernel)(*tuple(_d.values())))

</pallas_src>

<mosaic_0001>
#map = affine_map<(d0, d1) -> (0, 0)>
#map1 = affine_map<(d0, d1) -> (0, 0, 0, 0)>
#map2 = affine_map<(d0, d1) -> (0, 0, 0)>
module attributes {stable_mosaic.version = 14 : i64} {
  func.func @body(%arg0: i32, %arg1: i32, %arg2: memref<10000x128xf32, #tpu.memory_space<hbm>>, %arg3: memref<32x2x80x128xi32, #tpu.memory_space<hbm>>, %arg4: memref<640x128xf32, #tpu.memory_space<hbm>>, %arg5: memref<128x128xf32, #tpu.memory_space<hbm>>, %arg6: memref<2x10240x128xf32, #tpu.memory_space<hbm>>, %arg7: memref<2x10240x128xf32, #tpu.memory_space<hbm>>, %arg8: memref<2x40x128xi32, #tpu.memory_space<vmem>>, %arg9: memref<128x128xf32, #tpu.memory_space<vmem>>, %arg10: memref<128x128xf32, #tpu.memory_space<vmem>>, %arg11: memref<10240x128xf32, #tpu.memory_space<vmem_shared>>, %arg12: memref<!tpu.dma_semaphore, #tpu.memory_space<semaphore_mem>>, %arg13: memref<!tpu.dma_semaphore, #tpu.memory_space<semaphore_mem>>) attributes {dimension_semantics = [#tpu.dimension_semantics<core_parallel>, #tpu.dimension_semantics<subcore_parallel>], iteration_bounds = array<i64: 2, 16>, scalar_prefetch = 0 : i64, scratch_operands = 6 : i64, tpu.core_type = #tpu.core_type<sc_vector_subcore>, window_params = [{transform_indices = #map}, {transform_indices = #map1}, {transform_indices = #map}, {transform_indices = #map}, {transform_indices = #map2}, {transform_indices = #map2}]} {
    %mul3A = arith.constant 16 : i32
    %mul3A_0 = arith.muli %arg0, %mul3A : i32
    %add3A = arith.addi %mul3A_0, %arg1 : i32
    %mul3A_1 = arith.constant 640 : i32
    %mul3A_2 = arith.muli %arg1, %mul3A_1 : i32
    "tpu.region"() ({
      %run_scoped3A = tpu.sem_alloc : memref<!tpu.dma_semaphore, #tpu.memory_space<semaphore_mem>>
      %dma_start3A = arith.constant 0 : i32
      %dma_start3A_27 = tpu.memref_slice %arg11[%mul3A_2, %dma_start3A] : memref<10240x128xf32, #tpu.memory_space<vmem_shared>> -> memref<640x128xf32, #tpu.memory_space<vmem_shared>>
      tpu.enqueue_dma source(%arg4 : memref<640x128xf32, #tpu.memory_space<hbm>>) target(%dma_start3A_27 : memref<640x128xf32, #tpu.memory_space<vmem_shared>>) target_semaphore(%run_scoped3A : memref<!tpu.dma_semaphore, #tpu.memory_space<semaphore_mem>>)
      %dma_wait3A = arith.constant 0 : i32
      %dma_wait3A_28 = tpu.memref_slice %arg11[%mul3A_2, %dma_wait3A] : memref<10240x128xf32, #tpu.memory_space<vmem_shared>> -> memref<640x128xf32, #tpu.memory_space<vmem_shared>>
      tpu.wait_dma2 semaphore(%run_scoped3A : memref<!tpu.dma_semaphore, #tpu.memory_space<semaphore_mem>>) src(%arg4 : memref<640x128xf32, #tpu.memory_space<hbm>>) dst(%dma_wait3A_28 : memref<640x128xf32, #tpu.memory_space<vmem_shared>>)
      tpu.yield
    }) : () -> ()
    %barrier3A = arith.constant 0 : index
    tpu.barrier barrier_id(%barrier3A)
    %scan3A = arith.constant 0 : i32
    %scan3A_3 = arith.constant 0 : i32
    %scan3A_4 = arith.constant 2 : i32
    %scan3A_5 = arith.addi %scan3A_3, %scan3A_4 : i32
    %scan3A_6 = arith.constant 1 : i32
    scf.for %scan3A_27 = %scan3A_3 to %scan3A_5 step %scan3A_6  : i32 {
      %mul3A_28 = arith.constant 40 : i32
      %mul3A_29 = arith.muli %scan3A_27, %mul3A_28 : i32
      "tpu.region"() ({
        %run_scoped3A = tpu.sem_alloc : memref<!tpu.dma_semaphore, #tpu.memory_space<semaphore_mem>>
        %dma_start3A_51 = arith.constant 0 : i32
        %dma_start3A_52 = arith.constant 0 : i32
        %dma_start3A_53 = tpu.memref_slice %arg3[%add3A, %dma_start3A_51, %mul3A_29, %dma_start3A_52] : memref<32x2x80x128xi32, #tpu.memory_space<hbm>> -> memref<1x2x40x128xi32, #tpu.memory_space<hbm>>
        %dma_start3A_54 = tpu.memref_squeeze %dma_start3A_53 : memref<1x2x40x128xi32, #tpu.memory_space<hbm>> -> memref<2x40x128xi32, #tpu.memory_space<hbm>>
        %dma_start3A_55 = arith.constant 0 : i32
        %dma_start3A_56 = arith.constant 0 : i32
        %dma_start3A_57 = tpu.memref_slice %arg3[%add3A, %dma_start3A_55, %mul3A_29, %dma_start3A_56] : memref<32x2x80x128xi32, #tpu.memory_space<hbm>> -> memref<1x2x40x128xi32, #tpu.memory_space<hbm>>
        %dma_start3A_58 = tpu.memref_squeeze %dma_start3A_57 : memref<1x2x40x128xi32, #tpu.memory_space<hbm>> -> memref<2x40x128xi32, #tpu.memory_space<hbm>>
        tpu.enqueue_dma source(%dma_start3A_58 : memref<2x40x128xi32, #tpu.memory_space<hbm>>) target(%arg8 : memref<2x40x128xi32, #tpu.memory_space<vmem>>) target_semaphore(%run_scoped3A : memref<!tpu.dma_semaphore, #tpu.memory_space<semaphore_mem>>)
        %dma_wait3A = arith.constant 0 : i32
        %dma_wait3A_59 = arith.constant 0 : i32
        %dma_wait3A_60 = tpu.memref_slice %arg3[%add3A, %dma_wait3A, %mul3A_29, %dma_wait3A_59] : memref<32x2x80x128xi32, #tpu.memory_space<hbm>> -> memref<1x2x40x128xi32, #tpu.memory_space<hbm>>
        %dma_wait3A_61 = tpu.memref_squeeze %dma_wait3A_60 : memref<1x2x40x128xi32, #tpu.memory_space<hbm>> -> memref<2x40x128xi32, #tpu.memory_space<hbm>>
        %dma_wait3A_62 = arith.constant 0 : i32
        %dma_wait3A_63 = arith.constant 0 : i32
        %dma_wait3A_64 = tpu.memref_slice %arg3[%add3A, %dma_wait3A_62, %mul3A_29, %dma_wait3A_63] : memref<32x2x80x128xi32, #tpu.memory_space<hbm>> -> memref<1x2x40x128xi32, #tpu.memory_space<hbm>>
        %dma_wait3A_65 = tpu.memref_squeeze %dma_wait3A_64 : memref<1x2x40x128xi32, #tpu.memory_space<hbm>> -> memref<2x40x128xi32, #tpu.memory_space<hbm>>
        tpu.wait_dma2 semaphore(%run_scoped3A : memref<!tpu.dma_semaphore, #tpu.memory_space<semaphore_mem>>) src(%dma_wait3A_65 : memref<2x40x128xi32, #tpu.memory_space<hbm>>) dst(%arg8 : memref<2x40x128xi32, #tpu.memory_space<vmem>>)
        tpu.yield
      }) : () -> ()
      %dma_start3A = arith.constant 0 : i32
      %dma_start3A_30 = arith.constant 0 : i32
      %dma_start3A_31 = arith.constant 0 : i32
      %dma_start3A_32 = tpu.memref_slice %arg8[%dma_start3A, %dma_start3A_30, %dma_start3A_31] : memref<2x40x128xi32, #tpu.memory_space<vmem>> -> memref<1x1x128xi32, #tpu.memory_space<vmem>>
      %dma_start3A_33 = tpu.memref_squeeze %dma_start3A_32 : memref<1x1x128xi32, #tpu.memory_space<vmem>> -> memref<128xi32, #tpu.memory_space<vmem>>
      %dma_start3A_34 = arith.constant 0 : i32
      %dma_start3A_35 = arith.constant 0 : i32
      %dma_start3A_36 = tpu.memref_slice %arg2[%dma_start3A_34, %dma_start3A_35] : memref<10000x128xf32, #tpu.memory_space<hbm>> -> memref<10000x128xf32, #tpu.memory_space<hbm>>
      tpu.enqueue_indirect_dma source(%dma_start3A_36 : memref<10000x128xf32, #tpu.memory_space<hbm>>) target(%arg9 : memref<128x128xf32, #tpu.memory_space<vmem>>) offsets(%dma_start3A_33 : memref<128xi32, #tpu.memory_space<vmem>>) semaphore(%arg12 : memref<!tpu.dma_semaphore, #tpu.memory_space<semaphore_mem>>)
      %dma_start3A_37 = arith.constant 0 : i32
      %dma_start3A_38 = arith.constant 1 : i32
      %dma_start3A_39 = arith.constant 0 : i32
      %dma_start3A_40 = tpu.memref_slice %arg8[%dma_start3A_37, %dma_start3A_38, %dma_start3A_39] : memref<2x40x128xi32, #tpu.memory_space<vmem>> -> memref<1x1x128xi32, #tpu.memory_space<vmem>>
      %dma_start3A_41 = tpu.memref_squeeze %dma_start3A_40 : memref<1x1x128xi32, #tpu.memory_space<vmem>> -> memref<128xi32, #tpu.memory_space<vmem>>
      %dma_start3A_42 = arith.constant 0 : i32
      %dma_start3A_43 = arith.constant 0 : i32
      %dma_start3A_44 = tpu.memref_slice %arg2[%dma_start3A_42, %dma_start3A_43] : memref<10000x128xf32, #tpu.memory_space<hbm>> -> memref<10000x128xf32, #tpu.memory_space<hbm>>
      tpu.enqueue_indirect_dma source(%dma_start3A_44 : memref<10000x128xf32, #tpu.memory_space<hbm>>) target(%arg10 : memref<128x128xf32, #tpu.memory_space<vmem>>) offsets(%dma_start3A_41 : memref<128xi32, #tpu.memory_space<vmem>>) semaphore(%arg13 : memref<!tpu.dma_semaphore, #tpu.memory_space<semaphore_mem>>)
      %scan3A_45 = arith.constant 0 : i32
      %scan3A_46 = arith.constant 0 : i32
      %scan3A_47 = arith.constant 20 : i32
      %scan3A_48 = arith.addi %scan3A_46, %scan3A_47 : i32
      %scan3A_49 = arith.constant 1 : i32
      scf.for %scan3A_51 = %scan3A_46 to %scan3A_48 step %scan3A_49  : i32 {
        %mul3A_52 = arith.constant 2 : i32
        %mul3A_53 = arith.muli %mul3A_52, %scan3A_51 : i32
        %dma_wait3A = arith.constant 0 : i32
        %dma_wait3A_54 = arith.constant 0 : i32
        %dma_wait3A_55 = tpu.memref_slice %arg8[%dma_wait3A, %mul3A_53, %dma_wait3A_54] : memref<2x40x128xi32, #tpu.memory_space<vmem>> -> memref<1x1x128xi32, #tpu.memory_space<vmem>>
        %dma_wait3A_56 = tpu.memref_squeeze %dma_wait3A_55 : memref<1x1x128xi32, #tpu.memory_space<vmem>> -> memref<128xi32, #tpu.memory_space<vmem>>
        %dma_wait3A_57 = arith.constant 0 : i32
        %dma_wait3A_58 = arith.constant 0 : i32
        %dma_wait3A_59 = tpu.memref_slice %arg2[%dma_wait3A_57, %dma_wait3A_58] : memref<10000x128xf32, #tpu.memory_space<hbm>> -> memref<10000x128xf32, #tpu.memory_space<hbm>>
        tpu.wait_indirect_dma semaphore(%arg12 : memref<!tpu.dma_semaphore, #tpu.memory_space<semaphore_mem>>) src(%dma_wait3A_59 : memref<10000x128xf32, #tpu.memory_space<hbm>>) dst(%arg9 : memref<128x128xf32, #tpu.memory_space<vmem>>)
        %run_scoped3A = arith.constant 1 : i32
        "tpu.region"() ({
          %run_scoped3A_79 = tpu.sem_alloc : memref<!tpu.dma_semaphore, #tpu.memory_space<semaphore_mem>>
          %dma_start3A_80 = arith.constant 0 : i32
          %dma_start3A_81 = tpu.memref_slice %arg8[%run_scoped3A, %mul3A_53, %dma_start3A_80] : memref<2x40x128xi32, #tpu.memory_space<vmem>> -> memref<1x1x128xi32, #tpu.memory_space<vmem>>
          %dma_start3A_82 = tpu.memref_squeeze %dma_start3A_81 : memref<1x1x128xi32, #tpu.memory_space<vmem>> -> memref<128xi32, #tpu.memory_space<vmem>>
          %dma_start3A_83 = arith.constant 0 : i32
          %dma_start3A_84 = arith.constant 0 : i32
          %dma_start3A_85 = tpu.memref_slice %arg11[%dma_start3A_83, %dma_start3A_84] : memref<10240x128xf32, #tpu.memory_space<vmem_shared>> -> memref<10240x128xf32, #tpu.memory_space<vmem_shared>>
          tpu.enqueue_indirect_dma source(%arg9 : memref<128x128xf32, #tpu.memory_space<vmem>>) target(%dma_start3A_85 : memref<10240x128xf32, #tpu.memory_space<vmem_shared>>) offsets(%dma_start3A_82 : memref<128xi32, #tpu.memory_space<vmem>>) semaphore(%run_scoped3A_79 : memref<!tpu.dma_semaphore, #tpu.memory_space<semaphore_mem>>) {add = true}
          %dma_wait3A_86 = arith.constant 0 : i32
          %dma_wait3A_87 = tpu.memref_slice %arg8[%run_scoped3A, %mul3A_53, %dma_wait3A_86] : memref<2x40x128xi32, #tpu.memory_space<vmem>> -> memref<1x1x128xi32, #tpu.memory_space<vmem>>
          %dma_wait3A_88 = tpu.memref_squeeze %dma_wait3A_87 : memref<1x1x128xi32, #tpu.memory_space<vmem>> -> memref<128xi32, #tpu.memory_space<vmem>>
          %dma_wait3A_89 = arith.constant 0 : i32
          %dma_wait3A_90 = arith.constant 0 : i32
          %dma_wait3A_91 = tpu.memref_slice %arg11[%dma_wait3A_89, %dma_wait3A_90] : memref<10240x128xf32, #tpu.memory_space<vmem_shared>> -> memref<10240x128xf32, #tpu.memory_space<vmem_shared>>
          tpu.wait_indirect_dma semaphore(%run_scoped3A_79 : memref<!tpu.dma_semaphore, #tpu.memory_space<semaphore_mem>>) src(%arg9 : memref<128x128xf32, #tpu.memory_space<vmem>>) dst(%dma_wait3A_91 : memref<10240x128xf32, #tpu.memory_space<vmem_shared>>)
          tpu.yield
        }) : () -> ()
        %lt3A = arith.constant 19 : i32
        %lt3A_60 = arith.cmpi slt, %scan3A_51, %lt3A : i32
        %convert_element_type3A = arith.extui %lt3A_60 : i1 to i32
        %cond3A = arith.constant 0 : i32
        %cond3A_61 = arith.cmpi ne, %convert_element_type3A, %cond3A : i32
        scf.if %cond3A_61 {
          %add3A_79 = arith.constant 2 : i32
          %add3A_80 = arith.addi %mul3A_53, %add3A_79 : i32
          %dma_start3A_81 = arith.constant 0 : i32
          %dma_start3A_82 = arith.constant 0 : i32
          %dma_start3A_83 = tpu.memref_slice %arg8[%dma_start3A_81, %add3A_80, %dma_start3A_82] : memref<2x40x128xi32, #tpu.memory_space<vmem>> -> memref<1x1x128xi32, #tpu.memory_space<vmem>>
          %dma_start3A_84 = tpu.memref_squeeze %dma_start3A_83 : memref<1x1x128xi32, #tpu.memory_space<vmem>> -> memref<128xi32, #tpu.memory_space<vmem>>
          %dma_start3A_85 = arith.constant 0 : i32
          %dma_start3A_86 = arith.constant 0 : i32
          %dma_start3A_87 = tpu.memref_slice %arg2[%dma_start3A_85, %dma_start3A_86] : memref<10000x128xf32, #tpu.memory_space<hbm>> -> memref<10000x128xf32, #tpu.memory_space<hbm>>
          tpu.enqueue_indirect_dma source(%dma_start3A_87 : memref<10000x128xf32, #tpu.memory_space<hbm>>) target(%arg9 : memref<128x128xf32, #tpu.memory_space<vmem>>) offsets(%dma_start3A_84 : memref<128xi32, #tpu.memory_space<vmem>>) semaphore(%arg12 : memref<!tpu.dma_semaphore, #tpu.memory_space<semaphore_mem>>)
        } else {
        }
        %add3A_62 = arith.constant 1 : i32
        %add3A_63 = arith.addi %mul3A_53, %add3A_62 : i32
        %dma_wait3A_64 = arith.constant 0 : i32
        %dma_wait3A_65 = arith.constant 0 : i32
        %dma_wait3A_66 = tpu.memref_slice %arg8[%dma_wait3A_64, %add3A_63, %dma_wait3A_65] : memref<2x40x128xi32, #tpu.memory_space<vmem>> -> memref<1x1x128xi32, #tpu.memory_space<vmem>>
        %dma_wait3A_67 = tpu.memref_squeeze %dma_wait3A_66 : memref<1x1x128xi32, #tpu.memory_space<vmem>> -> memref<128xi32, #tpu.memory_space<vmem>>
        %dma_wait3A_68 = arith.constant 0 : i32
        %dma_wait3A_69 = arith.constant 0 : i32
        %dma_wait3A_70 = tpu.memref_slice %arg2[%dma_wait3A_68, %dma_wait3A_69] : memref<10000x128xf32, #tpu.memory_space<hbm>> -> memref<10000x128xf32, #tpu.memory_space<hbm>>
        tpu.wait_indirect_dma semaphore(%arg13 : memref<!tpu.dma_semaphore, #tpu.memory_space<semaphore_mem>>) src(%dma_wait3A_70 : memref<10000x128xf32, #tpu.memory_space<hbm>>) dst(%arg10 : memref<128x128xf32, #tpu.memory_space<vmem>>)
        %add3A_71 = arith.constant 1 : i32
        %add3A_72 = arith.addi %mul3A_53, %add3A_71 : i32
        %run_scoped3A_73 = arith.constant 1 : i32
        "tpu.region"() ({
          %run_scoped3A_79 = tpu.sem_alloc : memref<!tpu.dma_semaphore, #tpu.memory_space<semaphore_mem>>
          %dma_start3A_80 = arith.constant 0 : i32
          %dma_start3A_81 = tpu.memref_slice %arg8[%run_scoped3A_73, %add3A_72, %dma_start3A_80] : memref<2x40x128xi32, #tpu.memory_space<vmem>> -> memref<1x1x128xi32, #tpu.memory_space<vmem>>
          %dma_start3A_82 = tpu.memref_squeeze %dma_start3A_81 : memref<1x1x128xi32, #tpu.memory_space<vmem>> -> memref<128xi32, #tpu.memory_space<vmem>>
          %dma_start3A_83 = arith.constant 0 : i32
          %dma_start3A_84 = arith.constant 0 : i32
          %dma_start3A_85 = tpu.memref_slice %arg11[%dma_start3A_83, %dma_start3A_84] : memref<10240x128xf32, #tpu.memory_space<vmem_shared>> -> memref<10240x128xf32, #tpu.memory_space<vmem_shared>>
          tpu.enqueue_indirect_dma source(%arg10 : memref<128x128xf32, #tpu.memory_space<vmem>>) target(%dma_start3A_85 : memref<10240x128xf32, #tpu.memory_space<vmem_shared>>) offsets(%dma_start3A_82 : memref<128xi32, #tpu.memory_space<vmem>>) semaphore(%run_scoped3A_79 : memref<!tpu.dma_semaphore, #tpu.memory_space<semaphore_mem>>) {add = true}
          %dma_wait3A_86 = arith.constant 0 : i32
          %dma_wait3A_87 = tpu.memref_slice %arg8[%run_scoped3A_73, %add3A_72, %dma_wait3A_86] : memref<2x40x128xi32, #tpu.memory_space<vmem>> -> memref<1x1x128xi32, #tpu.memory_space<vmem>>
          %dma_wait3A_88 = tpu.memref_squeeze %dma_wait3A_87 : memref<1x1x128xi32, #tpu.memory_space<vmem>> -> memref<128xi32, #tpu.memory_space<vmem>>
          %dma_wait3A_89 = arith.constant 0 : i32
          %dma_wait3A_90 = arith.constant 0 : i32
          %dma_wait3A_91 = tpu.memref_slice %arg11[%dma_wait3A_89, %dma_wait3A_90] : memref<10240x128xf32, #tpu.memory_space<vmem_shared>> -> memref<10240x128xf32, #tpu.memory_space<vmem_shared>>
          tpu.wait_indirect_dma semaphore(%run_scoped3A_79 : memref<!tpu.dma_semaphore, #tpu.memory_space<semaphore_mem>>) src(%arg10 : memref<128x128xf32, #tpu.memory_space<vmem>>) dst(%dma_wait3A_91 : memref<10240x128xf32, #tpu.memory_space<vmem_shared>>)
          tpu.yield
        }) : () -> ()
        %lt3A_74 = arith.constant 19 : i32
        %lt3A_75 = arith.cmpi slt, %scan3A_51, %lt3A_74 : i32
        %convert_element_type3A_76 = arith.extui %lt3A_75 : i1 to i32
        %cond3A_77 = arith.constant 0 : i32
        %cond3A_78 = arith.cmpi ne, %convert_element_type3A_76, %cond3A_77 : i32
        scf.if %cond3A_78 {
          %add3A_79 = arith.constant 3 : i32
          %add3A_80 = arith.addi %mul3A_53, %add3A_79 : i32
          %dma_start3A_81 = arith.constant 0 : i32
          %dma_start3A_82 = arith.constant 0 : i32
          %dma_start3A_83 = tpu.memref_slice %arg8[%dma_start3A_81, %add3A_80, %dma_start3A_82] : memref<2x40x128xi32, #tpu.memory_space<vmem>> -> memref<1x1x128xi32, #tpu.memory_space<vmem>>
          %dma_start3A_84 = tpu.memref_squeeze %dma_start3A_83 : memref<1x1x128xi32, #tpu.memory_space<vmem>> -> memref<128xi32, #tpu.memory_space<vmem>>
          %dma_start3A_85 = arith.constant 0 : i32
          %dma_start3A_86 = arith.constant 0 : i32
          %dma_start3A_87 = tpu.memref_slice %arg2[%dma_start3A_85, %dma_start3A_86] : memref<10000x128xf32, #tpu.memory_space<hbm>> -> memref<10000x128xf32, #tpu.memory_space<hbm>>
          tpu.enqueue_indirect_dma source(%dma_start3A_87 : memref<10000x128xf32, #tpu.memory_space<hbm>>) target(%arg10 : memref<128x128xf32, #tpu.memory_space<vmem>>) offsets(%dma_start3A_84 : memref<128xi32, #tpu.memory_space<vmem>>) semaphore(%arg13 : memref<!tpu.dma_semaphore, #tpu.memory_space<semaphore_mem>>)
        } else {
        }
      }
      %scan3A_50 = arith.constant 20 : i32
    }
    %scan3A_7 = arith.constant 2 : i32
    %barrier3A_8 = arith.constant 0 : index
    tpu.barrier barrier_id(%barrier3A_8)
    %mul3A_9 = arith.constant 640 : i32
    %mul3A_10 = arith.muli %arg1, %mul3A_9 : i32
    %mul3A_11 = arith.constant 640 : i32
    %mul3A_12 = arith.muli %arg1, %mul3A_11 : i32
    "tpu.region"() ({
      %run_scoped3A = tpu.sem_alloc : memref<!tpu.dma_semaphore, #tpu.memory_space<semaphore_mem>>
      %dma_start3A = arith.constant 0 : i32
      %dma_start3A_27 = tpu.memref_slice %arg6[%arg0, %mul3A_12, %dma_start3A] : memref<2x10240x128xf32, #tpu.memory_space<hbm>> -> memref<1x640x128xf32, #tpu.memory_space<hbm>>
      %dma_start3A_28 = tpu.memref_squeeze %dma_start3A_27 : memref<1x640x128xf32, #tpu.memory_space<hbm>> -> memref<640x128xf32, #tpu.memory_space<hbm>>
      %dma_start3A_29 = arith.constant 0 : i32
      %dma_start3A_30 = tpu.memref_slice %arg11[%mul3A_10, %dma_start3A_29] : memref<10240x128xf32, #tpu.memory_space<vmem_shared>> -> memref<640x128xf32, #tpu.memory_space<vmem_shared>>
      tpu.enqueue_dma source(%dma_start3A_30 : memref<640x128xf32, #tpu.memory_space<vmem_shared>>) target(%dma_start3A_28 : memref<640x128xf32, #tpu.memory_space<hbm>>) target_semaphore(%run_scoped3A : memref<!tpu.dma_semaphore, #tpu.memory_space<semaphore_mem>>)
      %dma_wait3A = arith.constant 0 : i32
      %dma_wait3A_31 = tpu.memref_slice %arg6[%arg0, %mul3A_12, %dma_wait3A] : memref<2x10240x128xf32, #tpu.memory_space<hbm>> -> memref<1x640x128xf32, #tpu.memory_space<hbm>>
      %dma_wait3A_32 = tpu.memref_squeeze %dma_wait3A_31 : memref<1x640x128xf32, #tpu.memory_space<hbm>> -> memref<640x128xf32, #tpu.memory_space<hbm>>
      %dma_wait3A_33 = arith.constant 0 : i32
      %dma_wait3A_34 = tpu.memref_slice %arg11[%mul3A_10, %dma_wait3A_33] : memref<10240x128xf32, #tpu.memory_space<vmem_shared>> -> memref<640x128xf32, #tpu.memory_space<vmem_shared>>
      tpu.wait_dma2 semaphore(%run_scoped3A : memref<!tpu.dma_semaphore, #tpu.memory_space<semaphore_mem>>) src(%dma_wait3A_34 : memref<640x128xf32, #tpu.memory_space<vmem_shared>>) dst(%dma_wait3A_32 : memref<640x128xf32, #tpu.memory_space<hbm>>)
      tpu.yield
    }) : () -> ()
    %mul3A_13 = arith.constant 640 : i32
    %mul3A_14 = arith.muli %arg1, %mul3A_13 : i32
    "tpu.region"() ({
      %run_scoped3A = tpu.sem_alloc : memref<!tpu.dma_semaphore, #tpu.memory_space<semaphore_mem>>
      %dma_start3A = arith.constant 0 : i32
      %dma_start3A_27 = tpu.memref_slice %arg11[%mul3A_14, %dma_start3A] : memref<10240x128xf32, #tpu.memory_space<vmem_shared>> -> memref<640x128xf32, #tpu.memory_space<vmem_shared>>
      tpu.enqueue_dma source(%arg4 : memref<640x128xf32, #tpu.memory_space<hbm>>) target(%dma_start3A_27 : memref<640x128xf32, #tpu.memory_space<vmem_shared>>) target_semaphore(%run_scoped3A : memref<!tpu.dma_semaphore, #tpu.memory_space<semaphore_mem>>)
      %dma_wait3A = arith.constant 0 : i32
      %dma_wait3A_28 = tpu.memref_slice %arg11[%mul3A_14, %dma_wait3A] : memref<10240x128xf32, #tpu.memory_space<vmem_shared>> -> memref<640x128xf32, #tpu.memory_space<vmem_shared>>
      tpu.wait_dma2 semaphore(%run_scoped3A : memref<!tpu.dma_semaphore, #tpu.memory_space<semaphore_mem>>) src(%arg4 : memref<640x128xf32, #tpu.memory_space<hbm>>) dst(%dma_wait3A_28 : memref<640x128xf32, #tpu.memory_space<vmem_shared>>)
      tpu.yield
    }) : () -> ()
    "tpu.region"() ({
      %run_scoped3A = tpu.sem_alloc : memref<!tpu.dma_semaphore, #tpu.memory_space<semaphore_mem>>
      tpu.enqueue_dma source(%arg5 : memref<128x128xf32, #tpu.memory_space<hbm>>) target(%arg9 : memref<128x128xf32, #tpu.memory_space<vmem>>) target_semaphore(%run_scoped3A : memref<!tpu.dma_semaphore, #tpu.memory_space<semaphore_mem>>)
      tpu.wait_dma2 semaphore(%run_scoped3A : memref<!tpu.dma_semaphore, #tpu.memory_space<semaphore_mem>>) src(%arg5 : memref<128x128xf32, #tpu.memory_space<hbm>>) dst(%arg9 : memref<128x128xf32, #tpu.memory_space<vmem>>)
      tpu.yield
    }) : () -> ()
    %barrier3A_15 = arith.constant 0 : index
    tpu.barrier barrier_id(%barrier3A_15)
    %scan3A_16 = arith.constant 0 : i32
    %scan3A_17 = arith.constant 0 : i32
    %scan3A_18 = arith.constant 2 : i32
    %scan3A_19 = arith.addi %scan3A_17, %scan3A_18 : i32
    %scan3A_20 = arith.constant 1 : i32
    scf.for %scan3A_27 = %scan3A_17 to %scan3A_19 step %scan3A_20  : i32 {
      %mul3A_28 = arith.constant 40 : i32
      %mul3A_29 = arith.muli %scan3A_27, %mul3A_28 : i32
      "tpu.region"() ({
        %run_scoped3A = tpu.sem_alloc : memref<!tpu.dma_semaphore, #tpu.memory_space<semaphore_mem>>
        %dma_start3A = arith.constant 0 : i32
        %dma_start3A_36 = arith.constant 0 : i32
        %dma_start3A_37 = tpu.memref_slice %arg3[%add3A, %dma_start3A, %mul3A_29, %dma_start3A_36] : memref<32x2x80x128xi32, #tpu.memory_space<hbm>> -> memref<1x2x40x128xi32, #tpu.memory_space<hbm>>
        %dma_start3A_38 = tpu.memref_squeeze %dma_start3A_37 : memref<1x2x40x128xi32, #tpu.memory_space<hbm>> -> memref<2x40x128xi32, #tpu.memory_space<hbm>>
        %dma_start3A_39 = arith.constant 0 : i32
        %dma_start3A_40 = arith.constant 0 : i32
        %dma_start3A_41 = tpu.memref_slice %arg3[%add3A, %dma_start3A_39, %mul3A_29, %dma_start3A_40] : memref<32x2x80x128xi32, #tpu.memory_space<hbm>> -> memref<1x2x40x128xi32, #tpu.memory_space<hbm>>
        %dma_start3A_42 = tpu.memref_squeeze %dma_start3A_41 : memref<1x2x40x128xi32, #tpu.memory_space<hbm>> -> memref<2x40x128xi32, #tpu.memory_space<hbm>>
        tpu.enqueue_dma source(%dma_start3A_42 : memref<2x40x128xi32, #tpu.memory_space<hbm>>) target(%arg8 : memref<2x40x128xi32, #tpu.memory_space<vmem>>) target_semaphore(%run_scoped3A : memref<!tpu.dma_semaphore, #tpu.memory_space<semaphore_mem>>)
        %dma_wait3A = arith.constant 0 : i32
        %dma_wait3A_43 = arith.constant 0 : i32
        %dma_wait3A_44 = tpu.memref_slice %arg3[%add3A, %dma_wait3A, %mul3A_29, %dma_wait3A_43] : memref<32x2x80x128xi32, #tpu.memory_space<hbm>> -> memref<1x2x40x128xi32, #tpu.memory_space<hbm>>
        %dma_wait3A_45 = tpu.memref_squeeze %dma_wait3A_44 : memref<1x2x40x128xi32, #tpu.memory_space<hbm>> -> memref<2x40x128xi32, #tpu.memory_space<hbm>>
        %dma_wait3A_46 = arith.constant 0 : i32
        %dma_wait3A_47 = arith.constant 0 : i32
        %dma_wait3A_48 = tpu.memref_slice %arg3[%add3A, %dma_wait3A_46, %mul3A_29, %dma_wait3A_47] : memref<32x2x80x128xi32, #tpu.memory_space<hbm>> -> memref<1x2x40x128xi32, #tpu.memory_space<hbm>>
        %dma_wait3A_49 = tpu.memref_squeeze %dma_wait3A_48 : memref<1x2x40x128xi32, #tpu.memory_space<hbm>> -> memref<2x40x128xi32, #tpu.memory_space<hbm>>
        tpu.wait_dma2 semaphore(%run_scoped3A : memref<!tpu.dma_semaphore, #tpu.memory_space<semaphore_mem>>) src(%dma_wait3A_49 : memref<2x40x128xi32, #tpu.memory_space<hbm>>) dst(%arg8 : memref<2x40x128xi32, #tpu.memory_space<vmem>>)
        tpu.yield
      }) : () -> ()
      %scan3A_30 = arith.constant 0 : i32
      %scan3A_31 = arith.constant 0 : i32
      %scan3A_32 = arith.constant 40 : i32
      %scan3A_33 = arith.addi %scan3A_31, %scan3A_32 : i32
      %scan3A_34 = arith.constant 1 : i32
      scf.for %scan3A_36 = %scan3A_31 to %scan3A_33 step %scan3A_34  : i32 {
        %run_scoped3A = arith.constant 1 : i32
        "tpu.region"() ({
          %run_scoped3A_37 = tpu.sem_alloc : memref<!tpu.dma_semaphore, #tpu.memory_space<semaphore_mem>>
          %dma_start3A = arith.constant 0 : i32
          %dma_start3A_38 = tpu.memref_slice %arg8[%run_scoped3A, %scan3A_36, %dma_start3A] : memref<2x40x128xi32, #tpu.memory_space<vmem>> -> memref<1x1x128xi32, #tpu.memory_space<vmem>>
          %dma_start3A_39 = tpu.memref_squeeze %dma_start3A_38 : memref<1x1x128xi32, #tpu.memory_space<vmem>> -> memref<128xi32, #tpu.memory_space<vmem>>
          %dma_start3A_40 = arith.constant 0 : i32
          %dma_start3A_41 = arith.constant 0 : i32
          %dma_start3A_42 = tpu.memref_slice %arg11[%dma_start3A_40, %dma_start3A_41] : memref<10240x128xf32, #tpu.memory_space<vmem_shared>> -> memref<10240x128xf32, #tpu.memory_space<vmem_shared>>
          tpu.enqueue_indirect_dma source(%arg9 : memref<128x128xf32, #tpu.memory_space<vmem>>) target(%dma_start3A_42 : memref<10240x128xf32, #tpu.memory_space<vmem_shared>>) offsets(%dma_start3A_39 : memref<128xi32, #tpu.memory_space<vmem>>) semaphore(%run_scoped3A_37 : memref<!tpu.dma_semaphore, #tpu.memory_space<semaphore_mem>>) {add = true}
          %dma_wait3A = arith.constant 0 : i32
          %dma_wait3A_43 = tpu.memref_slice %arg8[%run_scoped3A, %scan3A_36, %dma_wait3A] : memref<2x40x128xi32, #tpu.memory_space<vmem>> -> memref<1x1x128xi32, #tpu.memory_space<vmem>>
          %dma_wait3A_44 = tpu.memref_squeeze %dma_wait3A_43 : memref<1x1x128xi32, #tpu.memory_space<vmem>> -> memref<128xi32, #tpu.memory_space<vmem>>
          %dma_wait3A_45 = arith.constant 0 : i32
          %dma_wait3A_46 = arith.constant 0 : i32
          %dma_wait3A_47 = tpu.memref_slice %arg11[%dma_wait3A_45, %dma_wait3A_46] : memref<10240x128xf32, #tpu.memory_space<vmem_shared>> -> memref<10240x128xf32, #tpu.memory_space<vmem_shared>>
          tpu.wait_indirect_dma semaphore(%run_scoped3A_37 : memref<!tpu.dma_semaphore, #tpu.memory_space<semaphore_mem>>) src(%arg9 : memref<128x128xf32, #tpu.memory_space<vmem>>) dst(%dma_wait3A_47 : memref<10240x128xf32, #tpu.memory_space<vmem_shared>>)
          tpu.yield
        }) : () -> ()
      }
      %scan3A_35 = arith.constant 40 : i32
    }
    %scan3A_21 = arith.constant 2 : i32
    %barrier3A_22 = arith.constant 0 : index
    tpu.barrier barrier_id(%barrier3A_22)
    %mul3A_23 = arith.constant 640 : i32
    %mul3A_24 = arith.muli %arg1, %mul3A_23 : i32
    %mul3A_25 = arith.constant 640 : i32
    %mul3A_26 = arith.muli %arg1, %mul3A_25 : i32
    "tpu.region"() ({
      %run_scoped3A = tpu.sem_alloc : memref<!tpu.dma_semaphore, #tpu.memory_space<semaphore_mem>>
      %dma_start3A = arith.constant 0 : i32
      %dma_start3A_27 = tpu.memref_slice %arg7[%arg0, %mul3A_26, %dma_start3A] : memref<2x10240x128xf32, #tpu.memory_space<hbm>> -> memref<1x640x128xf32, #tpu.memory_space<hbm>>
      %dma_start3A_28 = tpu.memref_squeeze %dma_start3A_27 : memref<1x640x128xf32, #tpu.memory_space<hbm>> -> memref<640x128xf32, #tpu.memory_space<hbm>>
      %dma_start3A_29 = arith.constant 0 : i32
      %dma_start3A_30 = tpu.memref_slice %arg11[%mul3A_24, %dma_start3A_29] : memref<10240x128xf32, #tpu.memory_space<vmem_shared>> -> memref<640x128xf32, #tpu.memory_space<vmem_shared>>
      tpu.enqueue_dma source(%dma_start3A_30 : memref<640x128xf32, #tpu.memory_space<vmem_shared>>) target(%dma_start3A_28 : memref<640x128xf32, #tpu.memory_space<hbm>>) target_semaphore(%run_scoped3A : memref<!tpu.dma_semaphore, #tpu.memory_space<semaphore_mem>>)
      %dma_wait3A = arith.constant 0 : i32
      %dma_wait3A_31 = tpu.memref_slice %arg7[%arg0, %mul3A_26, %dma_wait3A] : memref<2x10240x128xf32, #tpu.memory_space<hbm>> -> memref<1x640x128xf32, #tpu.memory_space<hbm>>
      %dma_wait3A_32 = tpu.memref_squeeze %dma_wait3A_31 : memref<1x640x128xf32, #tpu.memory_space<hbm>> -> memref<640x128xf32, #tpu.memory_space<hbm>>
      %dma_wait3A_33 = arith.constant 0 : i32
      %dma_wait3A_34 = tpu.memref_slice %arg11[%mul3A_24, %dma_wait3A_33] : memref<10240x128xf32, #tpu.memory_space<vmem_shared>> -> memref<640x128xf32, #tpu.memory_space<vmem_shared>>
      tpu.wait_dma2 semaphore(%run_scoped3A : memref<!tpu.dma_semaphore, #tpu.memory_space<semaphore_mem>>) src(%dma_wait3A_34 : memref<640x128xf32, #tpu.memory_space<vmem_shared>>) dst(%dma_wait3A_32 : memref<640x128xf32, #tpu.memory_space<hbm>>)
      tpu.yield
    }) : () -> ()
    return
  }
}

#map = affine_map<(d0, d1) -> (0, 0)>
#map1 = affine_map<(d0, d1) -> (0, 0, 0, 0)>
#map2 = affine_map<(d0, d1) -> (0, 0, 0)>
module attributes {stable_mosaic.version = 14 : i64} {
  func.func @body(%arg0: i32, %arg1: i32, %arg2: memref<10000x128xf32, #tpu.memory_space<hbm>>, %arg3: memref<32x2x80x128xi32, #tpu.memory_space<hbm>>, %arg4: memref<640x128xf32, #tpu.memory_space<hbm>>, %arg5: memref<2x10240x128xf32, #tpu.memory_space<hbm>>, %arg6: memref<2x40x128xi32, #tpu.memory_space<vmem>>, %arg7: memref<128x128xf32, #tpu.memory_space<vmem>>, %arg8: memref<128x128xf32, #tpu.memory_space<vmem>>, %arg9: memref<10240x128xf32, #tpu.memory_space<vmem_shared>>, %arg10: memref<!tpu.dma_semaphore, #tpu.memory_space<semaphore_mem>>, %arg11: memref<!tpu.dma_semaphore, #tpu.memory_space<semaphore_mem>>) attributes {dimension_semantics = [#tpu.dimension_semantics<core_parallel>, #tpu.dimension_semantics<subcore_parallel>], iteration_bounds = array<i64: 2, 16>, scalar_prefetch = 0 : i64, scratch_operands = 6 : i64, tpu.core_type = #tpu.core_type<sc_vector_subcore>, window_params = [{transform_indices = #map}, {transform_indices = #map1}, {transform_indices = #map}, {transform_indices = #map2}]} {
    %mul3A = arith.constant 16 : i32
    %mul3A_0 = arith.muli %arg0, %mul3A : i32
    %add3A = arith.addi %mul3A_0, %arg1 : i32
    %mul3A_1 = arith.constant 640 : i32
    %mul3A_2 = arith.muli %arg1, %mul3A_1 : i32
    "tpu.region"() ({
      %run_scoped3A = tpu.sem_alloc : memref<!tpu.dma_semaphore, #tpu.memory_space<semaphore_mem>>
      %dma_start3A = arith.constant 0 : i32
      %dma_start3A_13 = tpu.memref_slice %arg9[%mul3A_2, %dma_start3A] : memref<10240x128xf32, #tpu.memory_space<vmem_shared>> -> memref<640x128xf32, #tpu.memory_space<vmem_shared>>
      tpu.enqueue_dma source(%arg4 : memref<640x128xf32, #tpu.memory_space<hbm>>) target(%dma_start3A_13 : memref<640x128xf32, #tpu.memory_space<vmem_shared>>) target_semaphore(%run_scoped3A : memref<!tpu.dma_semaphore, #tpu.memory_space<semaphore_mem>>)
      %dma_wait3A = arith.constant 0 : i32
      %dma_wait3A_14 = tpu.memref_slice %arg9[%mul3A_2, %dma_wait3A] : memref<10240x128xf32, #tpu.memory_space<vmem_shared>> -> memref<640x128xf32, #tpu.memory_space<vmem_shared>>
      tpu.wait_dma2 semaphore(%run_scoped3A : memref<!tpu.dma_semaphore, #tpu.memory_space<semaphore_mem>>) src(%arg4 : memref<640x128xf32, #tpu.memory_space<hbm>>) dst(%dma_wait3A_14 : memref<640x128xf32, #tpu.memory_space<vmem_shared>>)
      tpu.yield
    }) : () -> ()
    %barrier3A = arith.constant 0 : index
    tpu.barrier barrier_id(%barrier3A)
    %scan3A = arith.constant 0 : i32
    %scan3A_3 = arith.constant 0 : i32
    %scan3A_4 = arith.constant 2 : i32
    %scan3A_5 = arith.addi %scan3A_3, %scan3A_4 : i32
    %scan3A_6 = arith.constant 1 : i32
    scf.for %scan3A_13 = %scan3A_3 to %scan3A_5 step %scan3A_6  : i32 {
      %mul3A_14 = arith.constant 40 : i32
      %mul3A_15 = arith.muli %scan3A_13, %mul3A_14 : i32
      "tpu.region"() ({
        %run_scoped3A = tpu.sem_alloc : memref<!tpu.dma_semaphore, #tpu.memory_space<semaphore_mem>>
        %dma_start3A_37 = arith.constant 0 : i32
        %dma_start3A_38 = arith.constant 0 : i32
        %dma_start3A_39 = tpu.memref_slice %arg3[%add3A, %dma_start3A_37, %mul3A_15, %dma_start3A_38] : memref<32x2x80x128xi32, #tpu.memory_space<hbm>> -> memref<1x2x40x128xi32, #tpu.memory_space<hbm>>
        %dma_start3A_40 = tpu.memref_squeeze %dma_start3A_39 : memref<1x2x40x128xi32, #tpu.memory_space<hbm>> -> memref<2x40x128xi32, #tpu.memory_space<hbm>>
        %dma_start3A_41 = arith.constant 0 : i32
        %dma_start3A_42 = arith.constant 0 : i32
        %dma_start3A_43 = tpu.memref_slice %arg3[%add3A, %dma_start3A_41, %mul3A_15, %dma_start3A_42] : memref<32x2x80x128xi32, #tpu.memory_space<hbm>> -> memref<1x2x40x128xi32, #tpu.memory_space<hbm>>
        %dma_start3A_44 = tpu.memref_squeeze %dma_start3A_43 : memref<1x2x40x128xi32, #tpu.memory_space<hbm>> -> memref<2x40x128xi32, #tpu.memory_space<hbm>>
        tpu.enqueue_dma source(%dma_start3A_44 : memref<2x40x128xi32, #tpu.memory_space<hbm>>) target(%arg6 : memref<2x40x128xi32, #tpu.memory_space<vmem>>) target_semaphore(%run_scoped3A : memref<!tpu.dma_semaphore, #tpu.memory_space<semaphore_mem>>)
        %dma_wait3A = arith.constant 0 : i32
        %dma_wait3A_45 = arith.constant 0 : i32
        %dma_wait3A_46 = tpu.memref_slice %arg3[%add3A, %dma_wait3A, %mul3A_15, %dma_wait3A_45] : memref<32x2x80x128xi32, #tpu.memory_space<hbm>> -> memref<1x2x40x128xi32, #tpu.memory_space<hbm>>
        %dma_wait3A_47 = tpu.memref_squeeze %dma_wait3A_46 : memref<1x2x40x128xi32, #tpu.memory_space<hbm>> -> memref<2x40x128xi32, #tpu.memory_space<hbm>>
        %dma_wait3A_48 = arith.constant 0 : i32
        %dma_wait3A_49 = arith.constant 0 : i32
        %dma_wait3A_50 = tpu.memref_slice %arg3[%add3A, %dma_wait3A_48, %mul3A_15, %dma_wait3A_49] : memref<32x2x80x128xi32, #tpu.memory_space<hbm>> -> memref<1x2x40x128xi32, #tpu.memory_space<hbm>>
        %dma_wait3A_51 = tpu.memref_squeeze %dma_wait3A_50 : memref<1x2x40x128xi32, #tpu.memory_space<hbm>> -> memref<2x40x128xi32, #tpu.memory_space<hbm>>
        tpu.wait_dma2 semaphore(%run_scoped3A : memref<!tpu.dma_semaphore, #tpu.memory_space<semaphore_mem>>) src(%dma_wait3A_51 : memref<2x40x128xi32, #tpu.memory_space<hbm>>) dst(%arg6 : memref<2x40x128xi32, #tpu.memory_space<vmem>>)
        tpu.yield
      }) : () -> ()
      %dma_start3A = arith.constant 0 : i32
      %dma_start3A_16 = arith.constant 0 : i32
      %dma_start3A_17 = arith.constant 0 : i32
      %dma_start3A_18 = tpu.memref_slice %arg6[%dma_start3A, %dma_start3A_16, %dma_start3A_17] : memref<2x40x128xi32, #tpu.memory_space<vmem>> -> memref<1x1x128xi32, #tpu.memory_space<vmem>>
      %dma_start3A_19 = tpu.memref_squeeze %dma_start3A_18 : memref<1x1x128xi32, #tpu.memory_space<vmem>> -> memref<128xi32, #tpu.memory_space<vmem>>
      %dma_start3A_20 = arith.constant 0 : i32
      %dma_start3A_21 = arith.constant 0 : i32
      %dma_start3A_22 = tpu.memref_slice %arg2[%dma_start3A_20, %dma_start3A_21] : memref<10000x128xf32, #tpu.memory_space<hbm>> -> memref<10000x128xf32, #tpu.memory_space<hbm>>
      tpu.enqueue_indirect_dma source(%dma_start3A_22 : memref<10000x128xf32, #tpu.memory_space<hbm>>) target(%arg7 : memref<128x128xf32, #tpu.memory_space<vmem>>) offsets(%dma_start3A_19 : memref<128xi32, #tpu.memory_space<vmem>>) semaphore(%arg10 : memref<!tpu.dma_semaphore, #tpu.memory_space<semaphore_mem>>)
      %dma_start3A_23 = arith.constant 0 : i32
      %dma_start3A_24 = arith.constant 1 : i32
      %dma_start3A_25 = arith.constant 0 : i32
      %dma_start3A_26 = tpu.memref_slice %arg6[%dma_start3A_23, %dma_start3A_24, %dma_start3A_25] : memref<2x40x128xi32, #tpu.memory_space<vmem>> -> memref<1x1x128xi32, #tpu.memory_space<vmem>>
      %dma_start3A_27 = tpu.memref_squeeze %dma_start3A_26 : memref<1x1x128xi32, #tpu.memory_space<vmem>> -> memref<128xi32, #tpu.memory_space<vmem>>
      %dma_start3A_28 = arith.constant 0 : i32
      %dma_start3A_29 = arith.constant 0 : i32
      %dma_start3A_30 = tpu.memref_slice %arg2[%dma_start3A_28, %dma_start3A_29] : memref<10000x128xf32, #tpu.memory_space<hbm>> -> memref<10000x128xf32, #tpu.memory_space<hbm>>
      tpu.enqueue_indirect_dma source(%dma_start3A_30 : memref<10000x128xf32, #tpu.memory_space<hbm>>) target(%arg8 : memref<128x128xf32, #tpu.memory_space<vmem>>) offsets(%dma_start3A_27 : memref<128xi32, #tpu.memory_space<vmem>>) semaphore(%arg11 : memref<!tpu.dma_semaphore, #tpu.memory_space<semaphore_mem>>)
      %scan3A_31 = arith.constant 0 : i32
      %scan3A_32 = arith.constant 0 : i32
      %scan3A_33 = arith.constant 20 : i32
      %scan3A_34 = arith.addi %scan3A_32, %scan3A_33 : i32
      %scan3A_35 = arith.constant 1 : i32
      scf.for %scan3A_37 = %scan3A_32 to %scan3A_34 step %scan3A_35  : i32 {
        %mul3A_38 = arith.constant 2 : i32
        %mul3A_39 = arith.muli %mul3A_38, %scan3A_37 : i32
        %dma_wait3A = arith.constant 0 : i32
        %dma_wait3A_40 = arith.constant 0 : i32
        %dma_wait3A_41 = tpu.memref_slice %arg6[%dma_wait3A, %mul3A_39, %dma_wait3A_40] : memref<2x40x128xi32, #tpu.memory_space<vmem>> -> memref<1x1x128xi32, #tpu.memory_space<vmem>>
        %dma_wait3A_42 = tpu.memref_squeeze %dma_wait3A_41 : memref<1x1x128xi32, #tpu.memory_space<vmem>> -> memref<128xi32, #tpu.memory_space<vmem>>
        %dma_wait3A_43 = arith.constant 0 : i32
        %dma_wait3A_44 = arith.constant 0 : i32
        %dma_wait3A_45 = tpu.memref_slice %arg2[%dma_wait3A_43, %dma_wait3A_44] : memref<10000x128xf32, #tpu.memory_space<hbm>> -> memref<10000x128xf32, #tpu.memory_space<hbm>>
        tpu.wait_indirect_dma semaphore(%arg10 : memref<!tpu.dma_semaphore, #tpu.memory_space<semaphore_mem>>) src(%dma_wait3A_45 : memref<10000x128xf32, #tpu.memory_space<hbm>>) dst(%arg7 : memref<128x128xf32, #tpu.memory_space<vmem>>)
        %run_scoped3A = arith.constant 1 : i32
        "tpu.region"() ({
          %run_scoped3A_65 = tpu.sem_alloc : memref<!tpu.dma_semaphore, #tpu.memory_space<semaphore_mem>>
          %dma_start3A_66 = arith.constant 0 : i32
          %dma_start3A_67 = tpu.memref_slice %arg6[%run_scoped3A, %mul3A_39, %dma_start3A_66] : memref<2x40x128xi32, #tpu.memory_space<vmem>> -> memref<1x1x128xi32, #tpu.memory_space<vmem>>
          %dma_start3A_68 = tpu.memref_squeeze %dma_start3A_67 : memref<1x1x128xi32, #tpu.memory_space<vmem>> -> memref<128xi32, #tpu.memory_space<vmem>>
          %dma_start3A_69 = arith.constant 0 : i32
          %dma_start3A_70 = arith.constant 0 : i32
          %dma_start3A_71 = tpu.memref_slice %arg9[%dma_start3A_69, %dma_start3A_70] : memref<10240x128xf32, #tpu.memory_space<vmem_shared>> -> memref<10240x128xf32, #tpu.memory_space<vmem_shared>>
          tpu.enqueue_indirect_dma source(%arg7 : memref<128x128xf32, #tpu.memory_space<vmem>>) target(%dma_start3A_71 : memref<10240x128xf32, #tpu.memory_space<vmem_shared>>) offsets(%dma_start3A_68 : memref<128xi32, #tpu.memory_space<vmem>>) semaphore(%run_scoped3A_65 : memref<!tpu.dma_semaphore, #tpu.memory_space<semaphore_mem>>) {add = true}
          %dma_wait3A_72 = arith.constant 0 : i32
          %dma_wait3A_73 = tpu.memref_slice %arg6[%run_scoped3A, %mul3A_39, %dma_wait3A_72] : memref<2x40x128xi32, #tpu.memory_space<vmem>> -> memref<1x1x128xi32, #tpu.memory_space<vmem>>
          %dma_wait3A_74 = tpu.memref_squeeze %dma_wait3A_73 : memref<1x1x128xi32, #tpu.memory_space<vmem>> -> memref<128xi32, #tpu.memory_space<vmem>>
          %dma_wait3A_75 = arith.constant 0 : i32
          %dma_wait3A_76 = arith.constant 0 : i32
          %dma_wait3A_77 = tpu.memref_slice %arg9[%dma_wait3A_75, %dma_wait3A_76] : memref<10240x128xf32, #tpu.memory_space<vmem_shared>> -> memref<10240x128xf32, #tpu.memory_space<vmem_shared>>
          tpu.wait_indirect_dma semaphore(%run_scoped3A_65 : memref<!tpu.dma_semaphore, #tpu.memory_space<semaphore_mem>>) src(%arg7 : memref<128x128xf32, #tpu.memory_space<vmem>>) dst(%dma_wait3A_77 : memref<10240x128xf32, #tpu.memory_space<vmem_shared>>)
          tpu.yield
        }) : () -> ()
        %lt3A = arith.constant 19 : i32
        %lt3A_46 = arith.cmpi slt, %scan3A_37, %lt3A : i32
        %convert_element_type3A = arith.extui %lt3A_46 : i1 to i32
        %cond3A = arith.constant 0 : i32
        %cond3A_47 = arith.cmpi ne, %convert_element_type3A, %cond3A : i32
        scf.if %cond3A_47 {
          %add3A_65 = arith.constant 2 : i32
          %add3A_66 = arith.addi %mul3A_39, %add3A_65 : i32
          %dma_start3A_67 = arith.constant 0 : i32
          %dma_start3A_68 = arith.constant 0 : i32
          %dma_start3A_69 = tpu.memref_slice %arg6[%dma_start3A_67, %add3A_66, %dma_start3A_68] : memref<2x40x128xi32, #tpu.memory_space<vmem>> -> memref<1x1x128xi32, #tpu.memory_space<vmem>>
          %dma_start3A_70 = tpu.memref_squeeze %dma_start3A_69 : memref<1x1x128xi32, #tpu.memory_space<vmem>> -> memref<128xi32, #tpu.memory_space<vmem>>
          %dma_start3A_71 = arith.constant 0 : i32
          %dma_start3A_72 = arith.constant 0 : i32
          %dma_start3A_73 = tpu.memref_slice %arg2[%dma_start3A_71, %dma_start3A_72] : memref<10000x128xf32, #tpu.memory_space<hbm>> -> memref<10000x128xf32, #tpu.memory_space<hbm>>
          tpu.enqueue_indirect_dma source(%dma_start3A_73 : memref<10000x128xf32, #tpu.memory_space<hbm>>) target(%arg7 : memref<128x128xf32, #tpu.memory_space<vmem>>) offsets(%dma_start3A_70 : memref<128xi32, #tpu.memory_space<vmem>>) semaphore(%arg10 : memref<!tpu.dma_semaphore, #tpu.memory_space<semaphore_mem>>)
        } else {
        }
        %add3A_48 = arith.constant 1 : i32
        %add3A_49 = arith.addi %mul3A_39, %add3A_48 : i32
        %dma_wait3A_50 = arith.constant 0 : i32
        %dma_wait3A_51 = arith.constant 0 : i32
        %dma_wait3A_52 = tpu.memref_slice %arg6[%dma_wait3A_50, %add3A_49, %dma_wait3A_51] : memref<2x40x128xi32, #tpu.memory_space<vmem>> -> memref<1x1x128xi32, #tpu.memory_space<vmem>>
        %dma_wait3A_53 = tpu.memref_squeeze %dma_wait3A_52 : memref<1x1x128xi32, #tpu.memory_space<vmem>> -> memref<128xi32, #tpu.memory_space<vmem>>
        %dma_wait3A_54 = arith.constant 0 : i32
        %dma_wait3A_55 = arith.constant 0 : i32
        %dma_wait3A_56 = tpu.memref_slice %arg2[%dma_wait3A_54, %dma_wait3A_55] : memref<10000x128xf32, #tpu.memory_space<hbm>> -> memref<10000x128xf32, #tpu.memory_space<hbm>>
        tpu.wait_indirect_dma semaphore(%arg11 : memref<!tpu.dma_semaphore, #tpu.memory_space<semaphore_mem>>) src(%dma_wait3A_56 : memref<10000x128xf32, #tpu.memory_space<hbm>>) dst(%arg8 : memref<128x128xf32, #tpu.memory_space<vmem>>)
        %add3A_57 = arith.constant 1 : i32
        %add3A_58 = arith.addi %mul3A_39, %add3A_57 : i32
        %run_scoped3A_59 = arith.constant 1 : i32
        "tpu.region"() ({
          %run_scoped3A_65 = tpu.sem_alloc : memref<!tpu.dma_semaphore, #tpu.memory_space<semaphore_mem>>
          %dma_start3A_66 = arith.constant 0 : i32
          %dma_start3A_67 = tpu.memref_slice %arg6[%run_scoped3A_59, %add3A_58, %dma_start3A_66] : memref<2x40x128xi32, #tpu.memory_space<vmem>> -> memref<1x1x128xi32, #tpu.memory_space<vmem>>
          %dma_start3A_68 = tpu.memref_squeeze %dma_start3A_67 : memref<1x1x128xi32, #tpu.memory_space<vmem>> -> memref<128xi32, #tpu.memory_space<vmem>>
          %dma_start3A_69 = arith.constant 0 : i32
          %dma_start3A_70 = arith.constant 0 : i32
          %dma_start3A_71 = tpu.memref_slice %arg9[%dma_start3A_69, %dma_start3A_70] : memref<10240x128xf32, #tpu.memory_space<vmem_shared>> -> memref<10240x128xf32, #tpu.memory_space<vmem_shared>>
          tpu.enqueue_indirect_dma source(%arg8 : memref<128x128xf32, #tpu.memory_space<vmem>>) target(%dma_start3A_71 : memref<10240x128xf32, #tpu.memory_space<vmem_shared>>) offsets(%dma_start3A_68 : memref<128xi32, #tpu.memory_space<vmem>>) semaphore(%run_scoped3A_65 : memref<!tpu.dma_semaphore, #tpu.memory_space<semaphore_mem>>) {add = true}
          %dma_wait3A_72 = arith.constant 0 : i32
          %dma_wait3A_73 = tpu.memref_slice %arg6[%run_scoped3A_59, %add3A_58, %dma_wait3A_72] : memref<2x40x128xi32, #tpu.memory_space<vmem>> -> memref<1x1x128xi32, #tpu.memory_space<vmem>>
          %dma_wait3A_74 = tpu.memref_squeeze %dma_wait3A_73 : memref<1x1x128xi32, #tpu.memory_space<vmem>> -> memref<128xi32, #tpu.memory_space<vmem>>
          %dma_wait3A_75 = arith.constant 0 : i32
          %dma_wait3A_76 = arith.constant 0 : i32
          %dma_wait3A_77 = tpu.memref_slice %arg9[%dma_wait3A_75, %dma_wait3A_76] : memref<10240x128xf32, #tpu.memory_space<vmem_shared>> -> memref<10240x128xf32, #tpu.memory_space<vmem_shared>>
          tpu.wait_indirect_dma semaphore(%run_scoped3A_65 : memref<!tpu.dma_semaphore, #tpu.memory_space<semaphore_mem>>) src(%arg8 : memref<128x128xf32, #tpu.memory_space<vmem>>) dst(%dma_wait3A_77 : memref<10240x128xf32, #tpu.memory_space<vmem_shared>>)
          tpu.yield
        }) : () -> ()
        %lt3A_60 = arith.constant 19 : i32
        %lt3A_61 = arith.cmpi slt, %scan3A_37, %lt3A_60 : i32
        %convert_element_type3A_62 = arith.extui %lt3A_61 : i1 to i32
        %cond3A_63 = arith.constant 0 : i32
        %cond3A_64 = arith.cmpi ne, %convert_element_type3A_62, %cond3A_63 : i32
        scf.if %cond3A_64 {
          %add3A_65 = arith.constant 3 : i32
          %add3A_66 = arith.addi %mul3A_39, %add3A_65 : i32
          %dma_start3A_67 = arith.constant 0 : i32
          %dma_start3A_68 = arith.constant 0 : i32
          %dma_start3A_69 = tpu.memref_slice %arg6[%dma_start3A_67, %add3A_66, %dma_start3A_68] : memref<2x40x128xi32, #tpu.memory_space<vmem>> -> memref<1x1x128xi32, #tpu.memory_space<vmem>>
          %dma_start3A_70 = tpu.memref_squeeze %dma_start3A_69 : memref<1x1x128xi32, #tpu.memory_space<vmem>> -> memref<128xi32, #tpu.memory_space<vmem>>
          %dma_start3A_71 = arith.constant 0 : i32
          %dma_start3A_72 = arith.constant 0 : i32
          %dma_start3A_73 = tpu.memref_slice %arg2[%dma_start3A_71, %dma_start3A_72] : memref<10000x128xf32, #tpu.memory_space<hbm>> -> memref<10000x128xf32, #tpu.memory_space<hbm>>
          tpu.enqueue_indirect_dma source(%dma_start3A_73 : memref<10000x128xf32, #tpu.memory_space<hbm>>) target(%arg8 : memref<128x128xf32, #tpu.memory_space<vmem>>) offsets(%dma_start3A_70 : memref<128xi32, #tpu.memory_space<vmem>>) semaphore(%arg11 : memref<!tpu.dma_semaphore, #tpu.memory_space<semaphore_mem>>)
        } else {
        }
      }
      %scan3A_36 = arith.constant 20 : i32
    }
    %scan3A_7 = arith.constant 2 : i32
    %barrier3A_8 = arith.constant 0 : index
    tpu.barrier barrier_id(%barrier3A_8)
    %mul3A_9 = arith.constant 640 : i32
    %mul3A_10 = arith.muli %arg1, %mul3A_9 : i32
    %mul3A_11 = arith.constant 640 : i32
    %mul3A_12 = arith.muli %arg1, %mul3A_11 : i32
    "tpu.region"() ({
      %run_scoped3A = tpu.sem_alloc : memref<!tpu.dma_semaphore, #tpu.memory_space<semaphore_mem>>
      %dma_start3A = arith.constant 0 : i32
      %dma_start3A_13 = tpu.memref_slice %arg5[%arg0, %mul3A_12, %dma_start3A] : memref<2x10240x128xf32, #tpu.memory_space<hbm>> -> memref<1x640x128xf32, #tpu.memory_space<hbm>>
      %dma_start3A_14 = tpu.memref_squeeze %dma_start3A_13 : memref<1x640x128xf32, #tpu.memory_space<hbm>> -> memref<640x128xf32, #tpu.memory_space<hbm>>
      %dma_start3A_15 = arith.constant 0 : i32
      %dma_start3A_16 = tpu.memref_slice %arg9[%mul3A_10, %dma_start3A_15] : memref<10240x128xf32, #tpu.memory_space<vmem_shared>> -> memref<640x128xf32, #tpu.memory_space<vmem_shared>>
      tpu.enqueue_dma source(%dma_start3A_16 : memref<640x128xf32, #tpu.memory_space<vmem_shared>>) target(%dma_start3A_14 : memref<640x128xf32, #tpu.memory_space<hbm>>) target_semaphore(%run_scoped3A : memref<!tpu.dma_semaphore, #tpu.memory_space<semaphore_mem>>)
      %dma_wait3A = arith.constant 0 : i32
      %dma_wait3A_17 = tpu.memref_slice %arg5[%arg0, %mul3A_12, %dma_wait3A] : memref<2x10240x128xf32, #tpu.memory_space<hbm>> -> memref<1x640x128xf32, #tpu.memory_space<hbm>>
      %dma_wait3A_18 = tpu.memref_squeeze %dma_wait3A_17 : memref<1x640x128xf32, #tpu.memory_space<hbm>> -> memref<640x128xf32, #tpu.memory_space<hbm>>
      %dma_wait3A_19 = arith.constant 0 : i32
      %dma_wait3A_20 = tpu.memref_slice %arg9[%mul3A_10, %dma_wait3A_19] : memref<10240x128xf32, #tpu.memory_space<vmem_shared>> -> memref<640x128xf32, #tpu.memory_space<vmem_shared>>
      tpu.wait_dma2 semaphore(%run_scoped3A : memref<!tpu.dma_semaphore, #tpu.memory_space<semaphore_mem>>) src(%dma_wait3A_20 : memref<640x128xf32, #tpu.memory_space<vmem_shared>>) dst(%dma_wait3A_18 : memref<640x128xf32, #tpu.memory_space<hbm>>)
      tpu.yield
    }) : () -> ()
    return
  }
}

module attributes {stable_mosaic.version = 14 : i64} {
  func.func @_pre_body(%arg0: i32, %arg1: memref<2000x128xf32, #tpu.memory_space<vmem>>, %arg2: memref<128x128xf32, #tpu.memory_space<vmem>>, %arg3: memref<128x128xf32, #tpu.memory_space<vmem>>, %arg4: memref<1x128xf32, #tpu.memory_space<vmem>>, %arg5: memref<2000x128xf32, #tpu.memory_space<vmem>>, %arg6: memref<2000x128xf32, #tpu.memory_space<vmem>>) attributes {dimension_semantics = [#tpu.dimension_semantics<arbitrary>], iteration_bounds = array<i64: 5>, scalar_prefetch = 0 : i64, scratch_operands = 0 : i64, tpu.core_type = #tpu.core_type<tc>, window_params = [{transform_indices = @transform_0, window_bounds = array<i64: 2000, 128>}, {pipeline_mode = #tpu.pipeline_mode<synchronous>, transform_indices = @transform_1, window_bounds = array<i64: 128, 128>}, {pipeline_mode = #tpu.pipeline_mode<synchronous>, transform_indices = @transform_2, window_bounds = array<i64: 128, 128>}, {pipeline_mode = #tpu.pipeline_mode<synchronous>, transform_indices = @transform_3, window_bounds = array<i64: 1, 128>}, {transform_indices = @transform_4, window_bounds = array<i64: 2000, 128>}, {transform_indices = @transform_5, window_bounds = array<i64: 2000, 128>}]} {
    %get3A = arith.constant 0 : index
    %get3A_0 = arith.constant 0 : index
    %get3A_1 = vector.load %arg1[%get3A, %get3A_0] : memref<2000x128xf32, #tpu.memory_space<vmem>>, vector<2000x128xf32>
    %get3A_2 = arith.constant 0 : index
    %get3A_3 = arith.constant 0 : index
    %get3A_4 = vector.load %arg2[%get3A_2, %get3A_3] : memref<128x128xf32, #tpu.memory_space<vmem>>, vector<128x128xf32>
    %dot_general3A = arith.constant dense<0.000000e+00> : vector<2000x128xf32>
    %dot_general3A_5 = tpu.matmul %get3A_1, %get3A_4, %dot_general3A {dimension_numbers = #tpu.dot_dimension_numbers<[1], [1], [0], [0], [0, 0, 1, 0], [], []>, transpose_lhs_hint = false} : vector<2000x128xf32>, vector<128x128xf32>, vector<2000x128xf32> -> vector<2000x128xf32>
    %swap3A = arith.constant 0 : index
    %swap3A_6 = arith.constant 0 : index
    %swap3A_7 = vector.load %arg5[%swap3A, %swap3A_6] : memref<2000x128xf32, #tpu.memory_space<vmem>>, vector<2000x128xf32>
    tpu.vector_store %arg5[%swap3A, %swap3A_6], %dot_general3A_5 {strides = array<i32>} : memref<2000x128xf32, #tpu.memory_space<vmem>>, vector<2000x128xf32>,
    %get3A_8 = arith.constant 0 : index
    %get3A_9 = arith.constant 0 : index
    %get3A_10 = vector.load %arg3[%get3A_8, %get3A_9] : memref<128x128xf32, #tpu.memory_space<vmem>>, vector<128x128xf32>
    %dot_general3A_11 = arith.constant dense<0.000000e+00> : vector<2000x128xf32>
    %dot_general3A_12 = tpu.matmul %get3A_1, %get3A_10, %dot_general3A_11 {dimension_numbers = #tpu.dot_dimension_numbers<[1], [1], [0], [0], [0, 0, 1, 0], [], []>, transpose_lhs_hint = false} : vector<2000x128xf32>, vector<128x128xf32>, vector<2000x128xf32> -> vector<2000x128xf32>
    %get3A_13 = arith.constant 0 : index
    %get3A_14 = arith.constant 0 : index
    %get3A_15 = vector.load %arg4[%get3A_13, %get3A_14] : memref<1x128xf32, #tpu.memory_space<vmem>>, vector<1x128xf32>
    %add3A = vector.broadcast %get3A_15 : vector<1x128xf32> to vector<2000x128xf32>
    %add3A_16 = arith.addf %dot_general3A_12, %add3A : vector<2000x128xf32>
    %swap3A_17 = arith.constant 0 : index
    %swap3A_18 = arith.constant 0 : index
    %swap3A_19 = vector.load %arg6[%swap3A_17, %swap3A_18] : memref<2000x128xf32, #tpu.memory_space<vmem>>, vector<2000x128xf32>
    tpu.vector_store %arg6[%swap3A_17, %swap3A_18], %add3A_16 {strides = array<i32>} : memref<2000x128xf32, #tpu.memory_space<vmem>>, vector<2000x128xf32>,
    return
  }
  func.func @transform_0(%arg0: i32) -> (i32, i32) {
    %c0_i32 = arith.constant 0 : i32
    %c0_i32_0 = arith.constant 0 : i32
    return %arg0, %c0_i32 : i32, i32
  }
  func.func @transform_1(%arg0: i32) -> (i32, i32) {
    %c0_i32 = arith.constant 0 : i32
    %c0_i32_0 = arith.constant 0 : i32
    %c0_i32_1 = arith.constant 0 : i32
    return %c0_i32, %c0_i32_0 : i32, i32
  }
  func.func @transform_2(%arg0: i32) -> (i32, i32) {
    %c0_i32 = arith.constant 0 : i32
    %c0_i32_0 = arith.constant 0 : i32
    %c0_i32_1 = arith.constant 0 : i32
    return %c0_i32, %c0_i32_0 : i32, i32
  }
  func.func @transform_3(%arg0: i32) -> (i32, i32) {
    %c0_i32 = arith.constant 0 : i32
    %c0_i32_0 = arith.constant 0 : i32
    %c0_i32_1 = arith.constant 0 : i32
    return %c0_i32, %c0_i32_0 : i32, i32
  }
  func.func @transform_4(%arg0: i32) -> (i32, i32) {
    %c0_i32 = arith.constant 0 : i32
    %c0_i32_0 = arith.constant 0 : i32
    return %arg0, %c0_i32 : i32, i32
  }
  func.func @transform_5(%arg0: i32) -> (i32, i32) {
    %c0_i32 = arith.constant 0 : i32
    %c0_i32_0 = arith.constant 0 : i32
    return %arg0, %c0_i32 : i32, i32
  }
}

module attributes {stable_mosaic.version = 14 : i64} {
  func.func @_comb_apply_body(%arg0: i32, %arg1: memref<2000x128xf32, #tpu.memory_space<vmem>>, %arg2: memref<2000x128xf32, #tpu.memory_space<vmem>>, %arg3: memref<2000x128xf32, #tpu.memory_space<vmem>>, %arg4: memref<2000x128xf32, #tpu.memory_space<vmem>>, %arg5: memref<2000x128xf32, #tpu.memory_space<vmem>>, %arg6: memref<1x128xf32, #tpu.memory_space<vmem>>, %arg7: memref<1x128xf32, #tpu.memory_space<vmem>>, %arg8: memref<128x128xf32, #tpu.memory_space<vmem>>, %arg9: memref<128x128xf32, #tpu.memory_space<vmem>>, %arg10: memref<1x128xf32, #tpu.memory_space<vmem>>, %arg11: memref<2000x128xf32, #tpu.memory_space<vmem>>, %arg12: memref<2000x128xf32, #tpu.memory_space<vmem>>, %arg13: memref<10000x128xf32, #tpu.memory_space<vmem>>, %arg14: memref<8x128xf32, #tpu.memory_space<vmem>>) attributes {dimension_semantics = [#tpu.dimension_semantics<arbitrary>], iteration_bounds = array<i64: 10>, scalar_prefetch = 0 : i64, scratch_operands = 2 : i64, tpu.core_type = #tpu.core_type<tc>, window_params = [{transform_indices = @transform_0, window_bounds = array<i64: 2000, 128>}, {transform_indices = @transform_1, window_bounds = array<i64: 2000, 128>}, {transform_indices = @transform_2, window_bounds = array<i64: 2000, 128>}, {transform_indices = @transform_3, window_bounds = array<i64: 2000, 128>}, {transform_indices = @transform_4, window_bounds = array<i64: 2000, 128>}, {pipeline_mode = #tpu.pipeline_mode<synchronous>, transform_indices = @transform_5, window_bounds = array<i64: 1, 128>}, {pipeline_mode = #tpu.pipeline_mode<synchronous>, transform_indices = @transform_6, window_bounds = array<i64: 1, 128>}, {pipeline_mode = #tpu.pipeline_mode<synchronous>, transform_indices = @transform_7, window_bounds = array<i64: 128, 128>}, {pipeline_mode = #tpu.pipeline_mode<synchronous>, transform_indices = @transform_8, window_bounds = array<i64: 128, 128>}, {pipeline_mode = #tpu.pipeline_mode<synchronous>, transform_indices = @transform_9, window_bounds = array<i64: 1, 128>}, {transform_indices = @transform_10, window_bounds = array<i64: 2000, 128>}, {transform_indices = @transform_11, window_bounds = array<i64: 2000, 128>}]} {
    %eq3A = arith.constant 0 : i32
    %eq3A_0 = arith.cmpi eq, %arg0, %eq3A : i32
    %convert_element_type3A = arith.extui %eq3A_0 : i1 to i32
    %cond3A = arith.constant 0 : i32
    %cond3A_1 = arith.cmpi ne, %convert_element_type3A, %cond3A : i32
    scf.if %cond3A_1 {
      %broadcast_in_dim3A = arith.constant 0.000000e+00 : f32
      %broadcast_in_dim3A_10 = vector.broadcast %broadcast_in_dim3A : f32 to vector<8x128xf32>
      %swap3A = arith.constant 0 : index
      %swap3A_11 = arith.constant 0 : index
      %swap3A_12 = vector.load %arg14[%swap3A, %swap3A_11] : memref<8x128xf32, #tpu.memory_space<vmem>>, vector<8x128xf32>
      tpu.vector_store %arg14[%swap3A, %swap3A_11], %broadcast_in_dim3A_10 {strides = array<i32>} : memref<8x128xf32, #tpu.memory_space<vmem>>, vector<8x128xf32>,
    } else {
    }
    %lt3A = arith.constant 5 : i32
    %lt3A_2 = arith.cmpi slt, %arg0, %lt3A : i32
    %convert_element_type3A_3 = arith.extui %lt3A_2 : i1 to i32
    %cond3A_4 = arith.constant 0 : i32
    %cond3A_5 = arith.cmpi ne, %convert_element_type3A_3, %cond3A_4 : i32
    scf.if %cond3A_5 {
      %get3A = arith.constant 0 : index
      %get3A_10 = arith.constant 0 : index
      %get3A_11 = vector.load %arg3[%get3A, %get3A_10] : memref<2000x128xf32, #tpu.memory_space<vmem>>, vector<2000x128xf32>
      %get3A_12 = arith.constant 0 : index
      %get3A_13 = arith.constant 0 : index
      %get3A_14 = vector.load %arg4[%get3A_12, %get3A_13] : memref<2000x128xf32, #tpu.memory_space<vmem>>, vector<2000x128xf32>
      %add3A = arith.addf %get3A_11, %get3A_14 : vector<2000x128xf32>
      %max3A = arith.constant 1.000000e+00 : f32
      %max3A_15 = vector.broadcast %max3A : f32 to vector<2000x128xf32>
      %max3A_16 = arith.maximumf %add3A, %max3A_15 : vector<2000x128xf32>
      %get3A_17 = arith.constant 0 : index
      %get3A_18 = arith.constant 0 : index
      %get3A_19 = vector.load %arg1[%get3A_17, %get3A_18] : memref<2000x128xf32, #tpu.memory_space<vmem>>, vector<2000x128xf32>
      %get3A_20 = arith.constant 0 : index
      %get3A_21 = arith.constant 0 : index
      %get3A_22 = vector.load %arg2[%get3A_20, %get3A_21] : memref<2000x128xf32, #tpu.memory_space<vmem>>, vector<2000x128xf32>
      %add3A_23 = arith.addf %get3A_19, %get3A_22 : vector<2000x128xf32>
      %slice3A = vector.extract_strided_slice %max3A_16 {offsets = [0, 0], sizes = [2000, 1], strides = [1, 1]} : vector<2000x128xf32> to vector<2000x1xf32>
      %div3A = vector.broadcast %slice3A : vector<2000x1xf32> to vector<2000x128xf32>
      %div3A_24 = arith.divf %add3A_23, %div3A : vector<2000x128xf32>
      %get3A_25 = arith.constant 0 : index
      %get3A_26 = arith.constant 0 : index
      %get3A_27 = vector.load %arg5[%get3A_25, %get3A_26] : memref<2000x128xf32, #tpu.memory_space<vmem>>, vector<2000x128xf32>
      %add3A_28 = arith.addf %div3A_24, %get3A_27 : vector<2000x128xf32>
      %mul3A = arith.constant 2000 : i32
      %mul3A_29 = arith.muli %arg0, %mul3A : i32
      %swap3A = arith.index_cast %mul3A_29 : i32 to index
      %swap3A_30 = arith.constant 0 : index
      %swap3A_31 = vector.load %arg13[%swap3A, %swap3A_30] : memref<10000x128xf32, #tpu.memory_space<vmem>>, vector<2000x128xf32>
      tpu.vector_store %arg13[%swap3A, %swap3A_30], %add3A_28 {strides = array<i32>} : memref<10000x128xf32, #tpu.memory_space<vmem>>, vector<2000x128xf32>,
      %get3A_32 = arith.constant 0 : index
      %get3A_33 = arith.constant 0 : index
      %get3A_34 = vector.load %arg14[%get3A_32, %get3A_33] : memref<8x128xf32, #tpu.memory_space<vmem>>, vector<1x128xf32>
      %reduce_sum3A = arith.constant dense<0.000000e+00> : vector<128xf32>
      %reduce_sum3A_35 = vector.multi_reduction <add>, %add3A_28, %reduce_sum3A [0] : vector<2000x128xf32> to vector<128xf32>
      %broadcast_in_dim3A = vector.shape_cast %reduce_sum3A_35 : vector<128xf32> to vector<1x128xf32>
      %add3A_36 = arith.addf %get3A_34, %broadcast_in_dim3A : vector<1x128xf32>
      %swap3A_37 = arith.constant 0 : index
      %swap3A_38 = arith.constant 0 : index
      %swap3A_39 = vector.load %arg14[%swap3A_37, %swap3A_38] : memref<8x128xf32, #tpu.memory_space<vmem>>, vector<1x128xf32>
      tpu.vector_store %arg14[%swap3A_37, %swap3A_38], %add3A_36 {strides = array<i32>} : memref<8x128xf32, #tpu.memory_space<vmem>>, vector<1x128xf32>,
      %get3A_40 = arith.constant 1 : index
      %get3A_41 = arith.constant 0 : index
      %get3A_42 = vector.load %arg14[%get3A_40, %get3A_41] : memref<8x128xf32, #tpu.memory_space<vmem>>, vector<1x128xf32>
      %mul3A_43 = arith.mulf %add3A_28, %add3A_28 : vector<2000x128xf32>
      %reduce_sum3A_44 = arith.constant dense<0.000000e+00> : vector<128xf32>
      %reduce_sum3A_45 = vector.multi_reduction <add>, %mul3A_43, %reduce_sum3A_44 [0] : vector<2000x128xf32> to vector<128xf32>
      %broadcast_in_dim3A_46 = vector.shape_cast %reduce_sum3A_45 : vector<128xf32> to vector<1x128xf32>
      %add3A_47 = arith.addf %get3A_42, %broadcast_in_dim3A_46 : vector<1x128xf32>
      %swap3A_48 = arith.constant 1 : index
      %swap3A_49 = arith.constant 0 : index
      %swap3A_50 = vector.load %arg14[%swap3A_48, %swap3A_49] : memref<8x128xf32, #tpu.memory_space<vmem>>, vector<1x128xf32>
      tpu.vector_store %arg14[%swap3A_48, %swap3A_49], %add3A_47 {strides = array<i32>} : memref<8x128xf32, #tpu.memory_space<vmem>>, vector<1x128xf32>,
    } else {
    }
    %ge3A = arith.constant 5 : i32
    %ge3A_6 = arith.cmpi sge, %arg0, %ge3A : i32
    %convert_element_type3A_7 = arith.extui %ge3A_6 : i1 to i32
    %cond3A_8 = arith.constant 0 : i32
    %cond3A_9 = arith.cmpi ne, %convert_element_type3A_7, %cond3A_8 : i32
    scf.if %cond3A_9 {
      %get3A = arith.constant 0 : index
      %get3A_10 = arith.constant 0 : index
      %get3A_11 = vector.load %arg14[%get3A, %get3A_10] : memref<8x128xf32, #tpu.memory_space<vmem>>, vector<8x128xf32>
      %get3A_12 = arith.constant 0 : index
      %get3A_13 = arith.constant 0 : index
      %get3A_14 = vector.load %arg6[%get3A_12, %get3A_13] : memref<1x128xf32, #tpu.memory_space<vmem>>, vector<1x128xf32>
      %get3A_15 = arith.constant 0 : index
      %get3A_16 = arith.constant 0 : index
      %get3A_17 = vector.load %arg7[%get3A_15, %get3A_16] : memref<1x128xf32, #tpu.memory_space<vmem>>, vector<1x128xf32>
      %slice3A = vector.extract_strided_slice %get3A_11 {offsets = [0, 0], sizes = [1, 128], strides = [1, 1]} : vector<8x128xf32> to vector<1x128xf32>
      %mul3A = arith.constant 9.99999974E-5 : f32
      %mul3A_18 = vector.broadcast %mul3A : f32 to vector<1x128xf32>
      %mul3A_19 = arith.mulf %slice3A, %mul3A_18 : vector<1x128xf32>
      %slice3A_20 = vector.extract_strided_slice %get3A_11 {offsets = [1, 0], sizes = [1, 128], strides = [1, 1]} : vector<8x128xf32> to vector<1x128xf32>
      %mul3A_21 = arith.constant 9.99999974E-5 : f32
      %mul3A_22 = vector.broadcast %mul3A_21 : f32 to vector<1x128xf32>
      %mul3A_23 = arith.mulf %slice3A_20, %mul3A_22 : vector<1x128xf32>
      %mul3A_24 = arith.mulf %mul3A_19, %mul3A_19 : vector<1x128xf32>
      %sub3A = arith.subf %mul3A_23, %mul3A_24 : vector<1x128xf32>
      %add3A = arith.constant 9.99999974E-6 : f32
      %add3A_25 = vector.broadcast %add3A : f32 to vector<1x128xf32>
      %add3A_26 = arith.addf %sub3A, %add3A_25 : vector<1x128xf32>
      %sqrt3A = math.sqrt %add3A_26 : vector<1x128xf32>
      %div3A = arith.divf %get3A_14, %sqrt3A : vector<1x128xf32>
      %mul3A_27 = arith.mulf %mul3A_19, %div3A : vector<1x128xf32>
      %sub3A_28 = arith.subf %get3A_17, %mul3A_27 : vector<1x128xf32>
      %sub3A_29 = arith.constant 5 : i32
      %sub3A_30 = arith.subi %arg0, %sub3A_29 : i32
      %mul3A_31 = arith.constant 2000 : i32
      %mul3A_32 = arith.muli %sub3A_30, %mul3A_31 : i32
      %get3A_33 = arith.index_cast %mul3A_32 : i32 to index
      %get3A_34 = arith.constant 0 : index
      %get3A_35 = vector.load %arg13[%get3A_33, %get3A_34] : memref<10000x128xf32, #tpu.memory_space<vmem>>, vector<2000x128xf32>
      %mul3A_36 = vector.broadcast %div3A : vector<1x128xf32> to vector<2000x128xf32>
      %mul3A_37 = arith.mulf %get3A_35, %mul3A_36 : vector<2000x128xf32>
      %add3A_38 = vector.broadcast %sub3A_28 : vector<1x128xf32> to vector<2000x128xf32>
      %add3A_39 = arith.addf %mul3A_37, %add3A_38 : vector<2000x128xf32>
      %max3A = arith.constant 0.000000e+00 : f32
      %max3A_40 = vector.broadcast %max3A : f32 to vector<2000x128xf32>
      %max3A_41 = arith.maximumf %add3A_39, %max3A_40 : vector<2000x128xf32>
      %get3A_42 = arith.constant 0 : index
      %get3A_43 = arith.constant 0 : index
      %get3A_44 = vector.load %arg8[%get3A_42, %get3A_43] : memref<128x128xf32, #tpu.memory_space<vmem>>, vector<128x128xf32>
      %dot_general3A = arith.constant dense<0.000000e+00> : vector<2000x128xf32>
      %dot_general3A_45 = tpu.matmul %max3A_41, %get3A_44, %dot_general3A {dimension_numbers = #tpu.dot_dimension_numbers<[1], [1], [0], [0], [0, 0, 1, 0], [], []>, transpose_lhs_hint = false} : vector<2000x128xf32>, vector<128x128xf32>, vector<2000x128xf32> -> vector<2000x128xf32>
      %swap3A = arith.constant 0 : index
      %swap3A_46 = arith.constant 0 : index
      %swap3A_47 = vector.load %arg11[%swap3A, %swap3A_46] : memref<2000x128xf32, #tpu.memory_space<vmem>>, vector<2000x128xf32>
      tpu.vector_store %arg11[%swap3A, %swap3A_46], %dot_general3A_45 {strides = array<i32>} : memref<2000x128xf32, #tpu.memory_space<vmem>>, vector<2000x128xf32>,
      %get3A_48 = arith.constant 0 : index
      %get3A_49 = arith.constant 0 : index
      %get3A_50 = vector.load %arg9[%get3A_48, %get3A_49] : memref<128x128xf32, #tpu.memory_space<vmem>>, vector<128x128xf32>
      %dot_general3A_51 = arith.constant dense<0.000000e+00> : vector<2000x128xf32>
      %dot_general3A_52 = tpu.matmul %max3A_41, %get3A_50, %dot_general3A_51 {dimension_numbers = #tpu.dot_dimension_numbers<[1], [1], [0], [0], [0, 0, 1, 0], [], []>, transpose_lhs_hint = false} : vector<2000x128xf32>, vector<128x128xf32>, vector<2000x128xf32> -> vector<2000x128xf32>
      %get3A_53 = arith.constant 0 : index
      %get3A_54 = arith.constant 0 : index
      %get3A_55 = vector.load %arg10[%get3A_53, %get3A_54] : memref<1x128xf32, #tpu.memory_space<vmem>>, vector<1x128xf32>
      %add3A_56 = vector.broadcast %get3A_55 : vector<1x128xf32> to vector<2000x128xf32>
      %add3A_57 = arith.addf %dot_general3A_52, %add3A_56 : vector<2000x128xf32>
      %swap3A_58 = arith.constant 0 : index
      %swap3A_59 = arith.constant 0 : index
      %swap3A_60 = vector.load %arg12[%swap3A_58, %swap3A_59] : memref<2000x128xf32, #tpu.memory_space<vmem>>, vector<2000x128xf32>
      tpu.vector_store %arg12[%swap3A_58, %swap3A_59], %add3A_57 {strides = array<i32>} : memref<2000x128xf32, #tpu.memory_space<vmem>>, vector<2000x128xf32>,
    } else {
    }
    return
  }
  func.func @transform_0(%arg0: i32) -> (i32, i32) {
    %min3A = arith.constant 4 : i32
    %min3A_0 = arith.minsi %arg0, %min3A : i32
    %c0_i32 = arith.constant 0 : i32
    %c0_i32_1 = arith.constant 0 : i32
    return %min3A_0, %c0_i32 : i32, i32
  }
  func.func @transform_1(%arg0: i32) -> (i32, i32) {
    %min3A = arith.constant 4 : i32
    %min3A_0 = arith.minsi %arg0, %min3A : i32
    %c0_i32 = arith.constant 0 : i32
    %c0_i32_1 = arith.constant 0 : i32
    return %min3A_0, %c0_i32 : i32, i32
  }
  func.func @transform_2(%arg0: i32) -> (i32, i32) {
    %min3A = arith.constant 4 : i32
    %min3A_0 = arith.minsi %arg0, %min3A : i32
    %c0_i32 = arith.constant 0 : i32
    %c0_i32_1 = arith.constant 0 : i32
    return %min3A_0, %c0_i32 : i32, i32
  }
  func.func @transform_3(%arg0: i32) -> (i32, i32) {
    %min3A = arith.constant 4 : i32
    %min3A_0 = arith.minsi %arg0, %min3A : i32
    %c0_i32 = arith.constant 0 : i32
    %c0_i32_1 = arith.constant 0 : i32
    return %min3A_0, %c0_i32 : i32, i32
  }
  func.func @transform_4(%arg0: i32) -> (i32, i32) {
    %min3A = arith.constant 4 : i32
    %min3A_0 = arith.minsi %arg0, %min3A : i32
    %c0_i32 = arith.constant 0 : i32
    %c0_i32_1 = arith.constant 0 : i32
    return %min3A_0, %c0_i32 : i32, i32
  }
  func.func @transform_5(%arg0: i32) -> (i32, i32) {
    %c0_i32 = arith.constant 0 : i32
    %c0_i32_0 = arith.constant 0 : i32
    %c0_i32_1 = arith.constant 0 : i32
    return %c0_i32, %c0_i32_0 : i32, i32
  }
  func.func @transform_6(%arg0: i32) -> (i32, i32) {
    %c0_i32 = arith.constant 0 : i32
    %c0_i32_0 = arith.constant 0 : i32
    %c0_i32_1 = arith.constant 0 : i32
    return %c0_i32, %c0_i32_0 : i32, i32
  }
  func.func @transform_7(%arg0: i32) -> (i32, i32) {
    %c0_i32 = arith.constant 0 : i32
    %c0_i32_0 = arith.constant 0 : i32
    %c0_i32_1 = arith.constant 0 : i32
    return %c0_i32, %c0_i32_0 : i32, i32
  }
  func.func @transform_8(%arg0: i32) -> (i32, i32) {
    %c0_i32 = arith.constant 0 : i32
    %c0_i32_0 = arith.constant 0 : i32
    %c0_i32_1 = arith.constant 0 : i32
    return %c0_i32, %c0_i32_0 : i32, i32
  }
  func.func @transform_9(%arg0: i32) -> (i32, i32) {
    %c0_i32 = arith.constant 0 : i32
    %c0_i32_0 = arith.constant 0 : i32
    %c0_i32_1 = arith.constant 0 : i32
    return %c0_i32, %c0_i32_0 : i32, i32
  }
  func.func @transform_10(%arg0: i32) -> (i32, i32) {
    %sub3A = arith.constant 5 : i32
    %sub3A_0 = arith.subi %arg0, %sub3A : i32
    %max3A = arith.constant 0 : i32
    %max3A_1 = arith.maxsi %sub3A_0, %max3A : i32
    %c0_i32 = arith.constant 0 : i32
    %c0_i32_2 = arith.constant 0 : i32
    return %max3A_1, %c0_i32 : i32, i32
  }
  func.func @transform_11(%arg0: i32) -> (i32, i32) {
    %sub3A = arith.constant 5 : i32
    %sub3A_0 = arith.subi %arg0, %sub3A : i32
    %max3A = arith.constant 0 : i32
    %max3A_1 = arith.maxsi %sub3A_0, %max3A : i32
    %c0_i32 = arith.constant 0 : i32
    %c0_i32_2 = arith.constant 0 : i32
    return %max3A_1, %c0_i32 : i32, i32
  }
}

module attributes {stable_mosaic.version = 14 : i64} {
  func.func @_comb_fin_body(%arg0: i32, %arg1: memref<2000x128xf32, #tpu.memory_space<vmem>>, %arg2: memref<2000x128xf32, #tpu.memory_space<vmem>>, %arg3: memref<2000x128xf32, #tpu.memory_space<vmem>>, %arg4: memref<2000x128xf32, #tpu.memory_space<vmem>>, %arg5: memref<2000x128xf32, #tpu.memory_space<vmem>>, %arg6: memref<1x128xf32, #tpu.memory_space<vmem>>, %arg7: memref<1x128xf32, #tpu.memory_space<vmem>>, %arg8: memref<64x128xf32, #tpu.memory_space<vmem>>, %arg9: memref<1x64xf32, #tpu.memory_space<vmem>>, %arg10: memref<8x64xf32, #tpu.memory_space<vmem>>, %arg11: memref<1x8xf32, #tpu.memory_space<vmem>>, %arg12: memref<2000x8xf32, #tpu.memory_space<vmem>>, %arg13: memref<10000x128xf32, #tpu.memory_space<vmem>>, %arg14: memref<8x128xf32, #tpu.memory_space<vmem>>) attributes {dimension_semantics = [#tpu.dimension_semantics<arbitrary>], iteration_bounds = array<i64: 10>, scalar_prefetch = 0 : i64, scratch_operands = 2 : i64, tpu.core_type = #tpu.core_type<tc>, window_params = [{transform_indices = @transform_0, window_bounds = array<i64: 2000, 128>}, {transform_indices = @transform_1, window_bounds = array<i64: 2000, 128>}, {transform_indices = @transform_2, window_bounds = array<i64: 2000, 128>}, {transform_indices = @transform_3, window_bounds = array<i64: 2000, 128>}, {transform_indices = @transform_4, window_bounds = array<i64: 2000, 128>}, {pipeline_mode = #tpu.pipeline_mode<synchronous>, transform_indices = @transform_5, window_bounds = array<i64: 1, 128>}, {pipeline_mode = #tpu.pipeline_mode<synchronous>, transform_indices = @transform_6, window_bounds = array<i64: 1, 128>}, {pipeline_mode = #tpu.pipeline_mode<synchronous>, transform_indices = @transform_7, window_bounds = array<i64: 64, 128>}, {pipeline_mode = #tpu.pipeline_mode<synchronous>, transform_indices = @transform_8, window_bounds = array<i64: 1, 64>}, {pipeline_mode = #tpu.pipeline_mode<synchronous>, transform_indices = @transform_9, window_bounds = array<i64: 8, 64>}, {pipeline_mode = #tpu.pipeline_mode<synchronous>, transform_indices = @transform_10, window_bounds = array<i64: 1, 8>}, {transform_indices = @transform_11, window_bounds = array<i64: 2000, 8>}]} {
    %eq3A = arith.constant 0 : i32
    %eq3A_0 = arith.cmpi eq, %arg0, %eq3A : i32
    %convert_element_type3A = arith.extui %eq3A_0 : i1 to i32
    %cond3A = arith.constant 0 : i32
    %cond3A_1 = arith.cmpi ne, %convert_element_type3A, %cond3A : i32
    scf.if %cond3A_1 {
      %broadcast_in_dim3A = arith.constant 0.000000e+00 : f32
      %broadcast_in_dim3A_10 = vector.broadcast %broadcast_in_dim3A : f32 to vector<8x128xf32>
      %swap3A = arith.constant 0 : index
      %swap3A_11 = arith.constant 0 : index
      %swap3A_12 = vector.load %arg14[%swap3A, %swap3A_11] : memref<8x128xf32, #tpu.memory_space<vmem>>, vector<8x128xf32>
      tpu.vector_store %arg14[%swap3A, %swap3A_11], %broadcast_in_dim3A_10 {strides = array<i32>} : memref<8x128xf32, #tpu.memory_space<vmem>>, vector<8x128xf32>,
    } else {
    }
    %lt3A = arith.constant 5 : i32
    %lt3A_2 = arith.cmpi slt, %arg0, %lt3A : i32
    %convert_element_type3A_3 = arith.extui %lt3A_2 : i1 to i32
    %cond3A_4 = arith.constant 0 : i32
    %cond3A_5 = arith.cmpi ne, %convert_element_type3A_3, %cond3A_4 : i32
    scf.if %cond3A_5 {
      %get3A = arith.constant 0 : index
      %get3A_10 = arith.constant 0 : index
      %get3A_11 = vector.load %arg3[%get3A, %get3A_10] : memref<2000x128xf32, #tpu.memory_space<vmem>>, vector<2000x128xf32>
      %get3A_12 = arith.constant 0 : index
      %get3A_13 = arith.constant 0 : index
      %get3A_14 = vector.load %arg4[%get3A_12, %get3A_13] : memref<2000x128xf32, #tpu.memory_space<vmem>>, vector<2000x128xf32>
      %add3A = arith.addf %get3A_11, %get3A_14 : vector<2000x128xf32>
      %max3A = arith.constant 1.000000e+00 : f32
      %max3A_15 = vector.broadcast %max3A : f32 to vector<2000x128xf32>
      %max3A_16 = arith.maximumf %add3A, %max3A_15 : vector<2000x128xf32>
      %get3A_17 = arith.constant 0 : index
      %get3A_18 = arith.constant 0 : index
      %get3A_19 = vector.load %arg1[%get3A_17, %get3A_18] : memref<2000x128xf32, #tpu.memory_space<vmem>>, vector<2000x128xf32>
      %get3A_20 = arith.constant 0 : index
      %get3A_21 = arith.constant 0 : index
      %get3A_22 = vector.load %arg2[%get3A_20, %get3A_21] : memref<2000x128xf32, #tpu.memory_space<vmem>>, vector<2000x128xf32>
      %add3A_23 = arith.addf %get3A_19, %get3A_22 : vector<2000x128xf32>
      %slice3A = vector.extract_strided_slice %max3A_16 {offsets = [0, 0], sizes = [2000, 1], strides = [1, 1]} : vector<2000x128xf32> to vector<2000x1xf32>
      %div3A = vector.broadcast %slice3A : vector<2000x1xf32> to vector<2000x128xf32>
      %div3A_24 = arith.divf %add3A_23, %div3A : vector<2000x128xf32>
      %get3A_25 = arith.constant 0 : index
      %get3A_26 = arith.constant 0 : index
      %get3A_27 = vector.load %arg5[%get3A_25, %get3A_26] : memref<2000x128xf32, #tpu.memory_space<vmem>>, vector<2000x128xf32>
      %add3A_28 = arith.addf %div3A_24, %get3A_27 : vector<2000x128xf32>
      %mul3A = arith.constant 2000 : i32
      %mul3A_29 = arith.muli %arg0, %mul3A : i32
      %swap3A = arith.index_cast %mul3A_29 : i32 to index
      %swap3A_30 = arith.constant 0 : index
      %swap3A_31 = vector.load %arg13[%swap3A, %swap3A_30] : memref<10000x128xf32, #tpu.memory_space<vmem>>, vector<2000x128xf32>
      tpu.vector_store %arg13[%swap3A, %swap3A_30], %add3A_28 {strides = array<i32>} : memref<10000x128xf32, #tpu.memory_space<vmem>>, vector<2000x128xf32>,
      %get3A_32 = arith.constant 0 : index
      %get3A_33 = arith.constant 0 : index
      %get3A_34 = vector.load %arg14[%get3A_32, %get3A_33] : memref<8x128xf32, #tpu.memory_space<vmem>>, vector<1x128xf32>
      %reduce_sum3A = arith.constant dense<0.000000e+00> : vector<128xf32>
      %reduce_sum3A_35 = vector.multi_reduction <add>, %add3A_28, %reduce_sum3A [0] : vector<2000x128xf32> to vector<128xf32>
      %broadcast_in_dim3A = vector.shape_cast %reduce_sum3A_35 : vector<128xf32> to vector<1x128xf32>
      %add3A_36 = arith.addf %get3A_34, %broadcast_in_dim3A : vector<1x128xf32>
      %swap3A_37 = arith.constant 0 : index
      %swap3A_38 = arith.constant 0 : index
      %swap3A_39 = vector.load %arg14[%swap3A_37, %swap3A_38] : memref<8x128xf32, #tpu.memory_space<vmem>>, vector<1x128xf32>
      tpu.vector_store %arg14[%swap3A_37, %swap3A_38], %add3A_36 {strides = array<i32>} : memref<8x128xf32, #tpu.memory_space<vmem>>, vector<1x128xf32>,
      %get3A_40 = arith.constant 1 : index
      %get3A_41 = arith.constant 0 : index
      %get3A_42 = vector.load %arg14[%get3A_40, %get3A_41] : memref<8x128xf32, #tpu.memory_space<vmem>>, vector<1x128xf32>
      %mul3A_43 = arith.mulf %add3A_28, %add3A_28 : vector<2000x128xf32>
      %reduce_sum3A_44 = arith.constant dense<0.000000e+00> : vector<128xf32>
      %reduce_sum3A_45 = vector.multi_reduction <add>, %mul3A_43, %reduce_sum3A_44 [0] : vector<2000x128xf32> to vector<128xf32>
      %broadcast_in_dim3A_46 = vector.shape_cast %reduce_sum3A_45 : vector<128xf32> to vector<1x128xf32>
      %add3A_47 = arith.addf %get3A_42, %broadcast_in_dim3A_46 : vector<1x128xf32>
      %swap3A_48 = arith.constant 1 : index
      %swap3A_49 = arith.constant 0 : index
      %swap3A_50 = vector.load %arg14[%swap3A_48, %swap3A_49] : memref<8x128xf32, #tpu.memory_space<vmem>>, vector<1x128xf32>
      tpu.vector_store %arg14[%swap3A_48, %swap3A_49], %add3A_47 {strides = array<i32>} : memref<8x128xf32, #tpu.memory_space<vmem>>, vector<1x128xf32>,
    } else {
    }
    %ge3A = arith.constant 5 : i32
    %ge3A_6 = arith.cmpi sge, %arg0, %ge3A : i32
    %convert_element_type3A_7 = arith.extui %ge3A_6 : i1 to i32
    %cond3A_8 = arith.constant 0 : i32
    %cond3A_9 = arith.cmpi ne, %convert_element_type3A_7, %cond3A_8 : i32
    scf.if %cond3A_9 {
      %get3A = arith.constant 0 : index
      %get3A_10 = arith.constant 0 : index
      %get3A_11 = vector.load %arg14[%get3A, %get3A_10] : memref<8x128xf32, #tpu.memory_space<vmem>>, vector<8x128xf32>
      %get3A_12 = arith.constant 0 : index
      %get3A_13 = arith.constant 0 : index
      %get3A_14 = vector.load %arg6[%get3A_12, %get3A_13] : memref<1x128xf32, #tpu.memory_space<vmem>>, vector<1x128xf32>
      %get3A_15 = arith.constant 0 : index
      %get3A_16 = arith.constant 0 : index
      %get3A_17 = vector.load %arg7[%get3A_15, %get3A_16] : memref<1x128xf32, #tpu.memory_space<vmem>>, vector<1x128xf32>
      %slice3A = vector.extract_strided_slice %get3A_11 {offsets = [0, 0], sizes = [1, 128], strides = [1, 1]} : vector<8x128xf32> to vector<1x128xf32>
      %mul3A = arith.constant 9.99999974E-5 : f32
      %mul3A_18 = vector.broadcast %mul3A : f32 to vector<1x128xf32>
      %mul3A_19 = arith.mulf %slice3A, %mul3A_18 : vector<1x128xf32>
      %slice3A_20 = vector.extract_strided_slice %get3A_11 {offsets = [1, 0], sizes = [1, 128], strides = [1, 1]} : vector<8x128xf32> to vector<1x128xf32>
      %mul3A_21 = arith.constant 9.99999974E-5 : f32
      %mul3A_22 = vector.broadcast %mul3A_21 : f32 to vector<1x128xf32>
      %mul3A_23 = arith.mulf %slice3A_20, %mul3A_22 : vector<1x128xf32>
      %mul3A_24 = arith.mulf %mul3A_19, %mul3A_19 : vector<1x128xf32>
      %sub3A = arith.subf %mul3A_23, %mul3A_24 : vector<1x128xf32>
      %add3A = arith.constant 9.99999974E-6 : f32
      %add3A_25 = vector.broadcast %add3A : f32 to vector<1x128xf32>
      %add3A_26 = arith.addf %sub3A, %add3A_25 : vector<1x128xf32>
      %sqrt3A = math.sqrt %add3A_26 : vector<1x128xf32>
      %div3A = arith.divf %get3A_14, %sqrt3A : vector<1x128xf32>
      %mul3A_27 = arith.mulf %mul3A_19, %div3A : vector<1x128xf32>
      %sub3A_28 = arith.subf %get3A_17, %mul3A_27 : vector<1x128xf32>
      %sub3A_29 = arith.constant 5 : i32
      %sub3A_30 = arith.subi %arg0, %sub3A_29 : i32
      %mul3A_31 = arith.constant 2000 : i32
      %mul3A_32 = arith.muli %sub3A_30, %mul3A_31 : i32
      %get3A_33 = arith.index_cast %mul3A_32 : i32 to index
      %get3A_34 = arith.constant 0 : index
      %get3A_35 = vector.load %arg13[%get3A_33, %get3A_34] : memref<10000x128xf32, #tpu.memory_space<vmem>>, vector<2000x128xf32>
      %mul3A_36 = vector.broadcast %div3A : vector<1x128xf32> to vector<2000x128xf32>
      %mul3A_37 = arith.mulf %get3A_35, %mul3A_36 : vector<2000x128xf32>
      %add3A_38 = vector.broadcast %sub3A_28 : vector<1x128xf32> to vector<2000x128xf32>
      %add3A_39 = arith.addf %mul3A_37, %add3A_38 : vector<2000x128xf32>
      %max3A = arith.constant 0.000000e+00 : f32
      %max3A_40 = vector.broadcast %max3A : f32 to vector<2000x128xf32>
      %max3A_41 = arith.maximumf %add3A_39, %max3A_40 : vector<2000x128xf32>
      %get3A_42 = arith.constant 0 : index
      %get3A_43 = arith.constant 0 : index
      %get3A_44 = vector.load %arg8[%get3A_42, %get3A_43] : memref<64x128xf32, #tpu.memory_space<vmem>>, vector<64x128xf32>
      %dot_general3A = arith.constant dense<0.000000e+00> : vector<2000x64xf32>
      %dot_general3A_45 = tpu.matmul %max3A_41, %get3A_44, %dot_general3A {dimension_numbers = #tpu.dot_dimension_numbers<[1], [1], [0], [0], [0, 0, 1, 0], [], []>, transpose_lhs_hint = false} : vector<2000x128xf32>, vector<64x128xf32>, vector<2000x64xf32> -> vector<2000x64xf32>
      %get3A_46 = arith.constant 0 : index
      %get3A_47 = arith.constant 0 : index
      %get3A_48 = vector.load %arg9[%get3A_46, %get3A_47] : memref<1x64xf32, #tpu.memory_space<vmem>>, vector<1x64xf32>
      %add3A_49 = vector.broadcast %get3A_48 : vector<1x64xf32> to vector<2000x64xf32>
      %add3A_50 = arith.addf %dot_general3A_45, %add3A_49 : vector<2000x64xf32>
      %max3A_51 = arith.constant 0.000000e+00 : f32
      %max3A_52 = vector.broadcast %max3A_51 : f32 to vector<2000x64xf32>
      %max3A_53 = arith.maximumf %add3A_50, %max3A_52 : vector<2000x64xf32>
      %get3A_54 = arith.constant 0 : index
      %get3A_55 = arith.constant 0 : index
      %get3A_56 = vector.load %arg10[%get3A_54, %get3A_55] : memref<8x64xf32, #tpu.memory_space<vmem>>, vector<8x64xf32>
      %dot_general3A_57 = arith.constant dense<0.000000e+00> : vector<2000x8xf32>
      %dot_general3A_58 = tpu.matmul %max3A_53, %get3A_56, %dot_general3A_57 {dimension_numbers = #tpu.dot_dimension_numbers<[1], [1], [0], [0], [0, 0, 1, 0], [], []>, transpose_lhs_hint = false} : vector<2000x64xf32>, vector<8x64xf32>, vector<2000x8xf32> -> vector<2000x8xf32>
      %get3A_59 = arith.constant 0 : index
      %get3A_60 = arith.constant 0 : index
      %get3A_61 = vector.load %arg11[%get3A_59, %get3A_60] : memref<1x8xf32, #tpu.memory_space<vmem>>, vector<1x8xf32>
      %add3A_62 = vector.broadcast %get3A_61 : vector<1x8xf32> to vector<2000x8xf32>
      %add3A_63 = arith.addf %dot_general3A_58, %add3A_62 : vector<2000x8xf32>
      %swap3A = arith.constant 0 : index
      %swap3A_64 = arith.constant 0 : index
      %swap3A_65 = vector.load %arg12[%swap3A, %swap3A_64] : memref<2000x8xf32, #tpu.memory_space<vmem>>, vector<2000x8xf32>
      tpu.vector_store %arg12[%swap3A, %swap3A_64], %add3A_63 {strides = array<i32>} : memref<2000x8xf32, #tpu.memory_space<vmem>>, vector<2000x8xf32>,
    } else {
    }
    return
  }
  func.func @transform_0(%arg0: i32) -> (i32, i32) {
    %min3A = arith.constant 4 : i32
    %min3A_0 = arith.minsi %arg0, %min3A : i32
    %c0_i32 = arith.constant 0 : i32
    %c0_i32_1 = arith.constant 0 : i32
    return %min3A_0, %c0_i32 : i32, i32
  }
  func.func @transform_1(%arg0: i32) -> (i32, i32) {
    %min3A = arith.constant 4 : i32
    %min3A_0 = arith.minsi %arg0, %min3A : i32
    %c0_i32 = arith.constant 0 : i32
    %c0_i32_1 = arith.constant 0 : i32
    return %min3A_0, %c0_i32 : i32, i32
  }
  func.func @transform_2(%arg0: i32) -> (i32, i32) {
    %min3A = arith.constant 4 : i32
    %min3A_0 = arith.minsi %arg0, %min3A : i32
    %c0_i32 = arith.constant 0 : i32
    %c0_i32_1 = arith.constant 0 : i32
    return %min3A_0, %c0_i32 : i32, i32
  }
  func.func @transform_3(%arg0: i32) -> (i32, i32) {
    %min3A = arith.constant 4 : i32
    %min3A_0 = arith.minsi %arg0, %min3A : i32
    %c0_i32 = arith.constant 0 : i32
    %c0_i32_1 = arith.constant 0 : i32
    return %min3A_0, %c0_i32 : i32, i32
  }
  func.func @transform_4(%arg0: i32) -> (i32, i32) {
    %min3A = arith.constant 4 : i32
    %min3A_0 = arith.minsi %arg0, %min3A : i32
    %c0_i32 = arith.constant 0 : i32
    %c0_i32_1 = arith.constant 0 : i32
    return %min3A_0, %c0_i32 : i32, i32
  }
  func.func @transform_5(%arg0: i32) -> (i32, i32) {
    %c0_i32 = arith.constant 0 : i32
    %c0_i32_0 = arith.constant 0 : i32
    %c0_i32_1 = arith.constant 0 : i32
    return %c0_i32, %c0_i32_0 : i32, i32
  }
  func.func @transform_6(%arg0: i32) -> (i32, i32) {
    %c0_i32 = arith.constant 0 : i32
    %c0_i32_0 = arith.constant 0 : i32
    %c0_i32_1 = arith.constant 0 : i32
    return %c0_i32, %c0_i32_0 : i32, i32
  }
  func.func @transform_7(%arg0: i32) -> (i32, i32) {
    %c0_i32 = arith.constant 0 : i32
    %c0_i32_0 = arith.constant 0 : i32
    %c0_i32_1 = arith.constant 0 : i32
    return %c0_i32, %c0_i32_0 : i32, i32
  }
  func.func @transform_8(%arg0: i32) -> (i32, i32) {
    %c0_i32 = arith.constant 0 : i32
    %c0_i32_0 = arith.constant 0 : i32
    %c0_i32_1 = arith.constant 0 : i32
    return %c0_i32, %c0_i32_0 : i32, i32
  }
  func.func @transform_9(%arg0: i32) -> (i32, i32) {
    %c0_i32 = arith.constant 0 : i32
    %c0_i32_0 = arith.constant 0 : i32
    %c0_i32_1 = arith.constant 0 : i32
    return %c0_i32, %c0_i32_0 : i32, i32
  }
  func.func @transform_10(%arg0: i32) -> (i32, i32) {
    %c0_i32 = arith.constant 0 : i32
    %c0_i32_0 = arith.constant 0 : i32
    %c0_i32_1 = arith.constant 0 : i32
    return %c0_i32, %c0_i32_0 : i32, i32
  }
  func.func @transform_11(%arg0: i32) -> (i32, i32) {
    %sub3A = arith.constant 5 : i32
    %sub3A_0 = arith.subi %arg0, %sub3A : i32
    %max3A = arith.constant 0 : i32
    %max3A_1 = arith.maxsi %sub3A_0, %max3A : i32
    %c0_i32 = arith.constant 0 : i32
    %c0_i32_2 = arith.constant 0 : i32
    return %max3A_1, %c0_i32 : i32, i32
  }
}

</mosaic_0001>

<sc_bundles>
// kernel: kernel.10.cloned.1.call-start
scs
__scs_entry_jumppad:
0x0: {  	(pc) =	sbr.rel $0x88, $3  }
0x1: {  	(tag) =	ssettag $0x0;
	lr =	simm.s32 $0x1  }
0x2: {  	[smem:$0x3F91] =	sst lr;
	_ =	strace $0xD0000000  }
0x3: {  	_ = 	snop  }
0x4: {  	_ = 	snop  }
0x5: {  	_ = 	snop  }
0x6: {  	_ = 	snop  }
0x7: {  	_ = 	snop  }
__scs_overlays_trampoline_lowered:
0x8: {  	[smem:$0x3FA0] =	sst s0  }
0x9: {  	[smem:$0x3FA1] =	sst s1  }
0xa: {  	[smem:$0x3FA2] =	sst s2  }
0xb: {  	[smem:$0x3FA3] =	sst s3  }
0xc: {  	[smem:$0x3FA4] =	sst s4  }
0xd: {  	[smem:$0x3FA5] =	sst s5  }
0xe: {  	[smem:$0x3FA6] =	sst s6  }
0xf: {  	[smem:$0x3FA7] =	sst s7  }
0x10: {  	[smem:$0x3FA8] =	sst s8  }
0x11: {  	[smem:$0x3FA9] =	sst s9;
	s0 =	simm.s32 @!p0 $0x0  }
0x12: {  	s1 =	sld [smem:$0x3F8F];
	s0 =	simm.s32 @p0 $0x1  }
0x13: {  	[smem:$0x3FAA] =	sst s0;
	s0 =	simm.s32 @!p1 $0x0  }
0x14: {  	s2 =	sld [smem:$0x3F8E];
	s0 =	simm.s32 @p1 $0x1  }
0x15: {  	[smem:$0x3FAB] =	sst s0;
	s0 =	simm.s32 @!p2 $0x0  }
0x16: {  	s3 =	sld [smem:$0x3FDB];
	s0 =	simm.s32 @p2 $0x1  }
0x17: {  	s4 =	simm.s32 $0x1BF5;
	[smem:$0x3FAD] =	sst s0  }
0x18: {  	s0 =	sld [smem:$0x3F90];
	_ =	swait.ge [sflag:s4], $0x0  }
0x19: {  	s7 =	sld [smem:$0x3F91]  }
0x1a: {  	s8 =	sadd.s32 $0xFFFFE003, lr  }
0x1b: {  	s9 =	sadd.s32 $0xFFFFFEF7, lr;
	s5 =	simm.s32 $0xFFFFFFFF;
	p2 =	slt.u32 s8, $0xFFFFF086  }
0x1c: {  	p1 =	slt.u32 s9, $0xF7A;
	s5 =	simm.s32 @!p2 $0x0  }
0x1d: {  	s5 =	simm.s32 @p1 $0x1;
	p0 =	seq.s32 s7, s2  }
0x1e: {  	s7 =	smul.u32 @!p0 $0xF7A, s2;
	p2 =	seq.s32 @!p0 s5, $0x0  }
0x1f: {  	s9 =	smul.u32 $0xF7A, s1;
	s8 =	simm.s32 @!p0 $0x1BF5;
	p2 =	por !p2, p0  }
0x20: {  	[sflag:s8] =	ssyncset.s32 @!p0 $0xFFFFF086;
	s6 =	sadd.s32 @!p0 s3, s7;
	s7 =	simm.s32 @!p0 $0x108  }
0x21: {  	s3 =	sadd.s32 s3, s9;
	s6 =	sadd.s32 @!p0 $0x88, s6;
	s7 =	simm.s32 @p2 $0x1082  }
0x22: {  	[simem:s7], [sflag:s8] =	dma.local @!p0 [hbm:s6], $0xF7A  }
0x23: {  	s9 =	sor.u32 $0xD0000000, s2;
	s6 =	simm.s32 $0x108;
	_ =	swait.ge @!p0 [sflag:s8], $0x0  }
0x24: {  	s3 =	sadd.s32 $0x88, s3;
	s6 =	simm.s32 @!p1 $0x1082;
	[sflag:s4] =	ssyncset.s32 $0xFFFFF086  }
0x25: {  	[simem:s6], [sflag:s4] =	dma.local [hbm:s3], $0xF7A  }
0x26: {  	[smem:$0x3F91] =	sst s1;
	(tag) =	ssettag s2;
	_ =	strace s9  }
0x27: {  	s1 =	sld [smem:$0x3FA1]  }
0x28: {  	s2 =	sld [smem:$0x3FA2]  }
0x29: {  	s4 =	sld [smem:$0x3FA4]  }
0x2a: {  	p0 =	seq.s32 s5, $0x0;
	s5 =	sld [smem:$0x3FA5]  }
0x2b: {  	s6 =	sld [smem:$0x3FA6]  }
0x2c: {  	s7 =	sld [smem:$0x3FA7]  }
0x2d: {  	s3 =	simm.s32 $0x108;
	s8 =	sld [smem:$0x3FA8]  }
0x2e: {  	s3 =	simm.s32 @!p0 $0x1082;
	s9 =	sld [smem:$0x3FA9]  }
0x2f: {  	lr =	sadd.s32 s0, s3;
	s0 =	sld [smem:$0x3FA0]  }
0x30: {  	s3 =	sld [smem:$0x3FA3]  }
0x31: {  	[smem:$0x3FAC] =	sst s10  }
0x32: {  	s10 =	sld [smem:$0x3FAA];
	_ =	sdelay $0x3  }
0x33: {  	p0 =	seq.s32 s10, $0x1;
	s10 =	sld [smem:$0x3FAC];
	_ =	sdelay $0x3  }
0x34: {  	[smem:$0x3FAC] =	sst s10  }
0x35: {  	s10 =	sld [smem:$0x3FAB];
	_ =	sdelay $0x3  }
0x36: {  	p1 =	seq.s32 s10, $0x1;
	s10 =	sld [smem:$0x3FAC];
	_ =	sdelay $0x3  }
0x37: {  	[smem:$0x3FAC] =	sst s10  }
0x38: {  	s10 =	sld [smem:$0x3FAD]  }
0x39: {  	_ = 	snop;
	(pc) =	sbr.ind lr, $3  }
0x3a: {  	_ = 	snop  }
0x3b: {  	_ = 	snop  }
0x3c: {  	p2 =	seq.s32 s10, $0x1;
	s10 =	sld [smem:$0x3FAC]  }
0x3d: {  	_ =	shalt  }
0x3e: {  	_ =	shalt  }
0x3f: {  	_ =	shalt  }
0x40: {  	_ =	shalt  }
0x41: {  	_ =	shalt  }
0x42: {  	_ =	shalt  }
0x43: {  	_ =	shalt  }
0x44: {  	_ =	shalt  }
0x45: {  	_ =	shalt  }
0x46: {  	_ =	shalt  }
0x47: {  	_ =	shalt  }
0x48: {  	_ =	shalt  }
0x49: {  	_ =	shalt  }
0x4a: {  	_ =	shalt  }
0x4b: {  	_ =	shalt  }
0x4c: {  	_ =	shalt  }
0x4d: {  	_ =	shalt  }
0x4e: {  	_ =	shalt  }
0x4f: {  	_ =	shalt  }
0x50: {  	_ =	shalt  }
0x51: {  	_ =	shalt  }
0x52: {  	_ =	shalt  }
0x53: {  	_ =	shalt  }
0x54: {  	_ =	shalt  }
0x55: {  	_ =	shalt  }
0x56: {  	_ =	shalt  }
0x57: {  	_ =	shalt  }
0x58: {  	_ =	shalt  }
0x59: {  	_ =	shalt  }
0x5a: {  	_ =	shalt  }
0x5b: {  	_ =	shalt  }
0x5c: {  	_ =	shalt  }
0x5d: {  	_ =	shalt  }
0x5e: {  	_ =	shalt  }
0x5f: {  	_ =	shalt  }
0x60: {  	_ =	shalt  }
0x61: {  	_ =	shalt  }
0x62: {  	_ =	shalt  }
0x63: {  	_ =	shalt  }
0x64: {  	_ =	shalt  }
0x65: {  	_ =	shalt  }
0x66: {  	_ =	shalt  }
0x67: {  	_ =	shalt  }
0x68: {  	_ =	shalt  }
0x69: {  	_ =	shalt  }
0x6a: {  	_ =	shalt  }
0x6b: {  	_ =	shalt  }
0x6c: {  	_ =	shalt  }
0x6d: {  	_ =	shalt  }
0x6e: {  	_ =	shalt  }
0x6f: {  	_ =	shalt  }
0x70: {  	_ =	shalt  }
0x71: {  	_ =	shalt  }
0x72: {  	_ =	shalt  }
0x73: {  	_ =	shalt  }
0x74: {  	_ =	shalt  }
0x75: {  	_ =	shalt  }
0x76: {  	_ =	shalt  }
0x77: {  	_ =	shalt  }
0x78: {  	_ =	shalt  }
0x79: {  	_ =	shalt  }
0x7a: {  	_ =	shalt  }
0x7b: {  	_ =	shalt  }
0x7c: {  	_ =	shalt  }
0x7d: {  	_ =	shalt  }
0x7e: {  	_ =	shalt  }
0x7f: {  	_ =	shalt  }
0x80: {  	_ =	shalt  }
0x81: {  	_ =	shalt  }
0x82: {  	_ =	shalt  }
0x83: {  	_ =	shalt  }
0x84: {  	_ =	shalt  }
0x85: {  	_ =	shalt  }
0x86: {  	_ =	shalt  }
0x87: {  	_ =	shalt  }
.Lfunc_end0:
.L_simem_size_0:
called_computation.1_lowered:
.L_overlay_start_0:
0x88: {  	s2 =	sld [smem:$0x3FD9]  }
0x89: {  	s3 =	sld [smem:$0x3FFE];
	_ =	sdelay $0x1  }
0x8a: {  	s1 =	srdreg.scid  }
0x8b: {  	s0 =	sand.u32 $0x1, s1  }
0x8c: {  	s16 =	sshll.u32 s0, $0xA;
	s2 =	sadd.s32 s3, s2  }
0x8d: {  	s2 =	sadd.s32 s2, s16  }
0x8e: {  	[smem:$0x3FB8] =	sst s2  }
0x8f: {  	_ = 	snop  }
0x90: {  	(tm) =	ssettm $0x1  }
0x91: {  	s17 =	sld [smem:$0x3FFB];
	_ =	sdelay $0x3  }
0x92: {  	_ =	strace s17  }
0x93: {  	s2 =	sld [smem:$0x3FFC];
	_ =	sdelay $0x3  }
0x94: {  	_ =	strace s2  }
0x95: {  	s2 =	sld [smem:$0x3FFD];
	_ =	sdelay $0x3  }
0x96: {  	_ =	strace s2  }
0x97: {  	_ =	strace $0x8FFFFFFF  }
0x98: {  	s18 =	sld [smem:$0x3FDB];
	_ =	sdelay $0x1  }
0x99: {  	s19 =	simm.s32 $_scs_section_size  }
0x9a: {  	s4 =	simm.s32 $_size__tile_overlayer_lowered;
	s5 =	simm.s32 $_tile_overlayer_lowered  }
0x9b: {  	s22 =	simm.s32 $0x1BFF;
	s21 =	sshll.u32 s5, $0x1;
	s2 =	sadd.s32 s19, s18  }
0x9c: {  	s6 =	simm.s32 $0x0;
	s20 =	sshll.u32 s4, $0x1;
	s4 =	sadd.s32 s21, s2  }
0x9d: {  	[timem:s6], [sflag:s22] =	dma.local [hbm:s4], s20  }
0x9e: {  	_ =	swait.ge [sflag:s22], s20  }
0x9f: {  	s3 =	ssub.s32 $0x0, s20;
	[sflag:s22] =	ssyncset.done $0x0  }
0xa0: {  	[sflag:s22] =	ssyncadd.s32 s3;
	_ =	sdelay $0x1  }
0xa1: {  	s23 =	simm.s32 $0x1B8B  }
0xa2: {  	_ =	swait.ge [sflag:s23], $0x1  }
0xa3: {  	[sflag:s23] =	ssyncset.done $0x0  }
0xa4: {  	s25 =	simm.s32 $0x1B8E;
	s24 =	sld [smem:$0x3FFE];
	[sflag:s23] =	ssyncadd.s32 $0xFFFFFFFF  }
0xa5: {  	s26 =	simm.s32 $execute0_lowered;
	[smem:$0x3FD2] =	sst s25  }
0xa6: {  	s4 =	sshll.u32 s26, $0x1;
	_ =	strace $0x80000049;
	[dreg:$0x1] =	wrdreg $0xFFFFFFFF  }
0xa7: {  	s28 =	simm.s32 $_size_execute0_lowered;
	s2 =	sadd.s32 s2, s4;
	[dreg:$0x0] =	wrdreg $0x0  }
0xa8: {  	s4 =	sshll.u32 s28, $0x1;
	[dreg:$0x2] =	wrdreg s2  }
0xa9: {  	[dreg:$0x3] =	wrdreg s4  }
0xaa: {  	[dreg:$0x4] =	wrdreg $0xC0  }
0xab: {  	_ =	task [dreg:s6], $0x5FFFF  }
0xac: {  	[dreg:$0x1] =	wrdreg $0xFFFFFFFF  }
0xad: {  	[dreg:$0x0] =	wrdreg $0x60  }
0xae: {  	[dreg:$0x2] =	wrdreg s24  }
0xaf: {  	[dreg:$0x3] =	wrdreg $0xA8000  }
0xb0: {  	[dreg:$0x4] =	wrdreg $0x9  }
0xb1: {  	_ =	task.clear_ibuf [dreg:s6], $0x5FFFF;
	_ =	strace $0x90000049  }
0xb2: {  	s29 =	simm.s32 $0x9;
	_ =	strace $0x8000004B  }
0xb3: {  	_ =	swait.ge [sflag:s29], $0x1  }
0xb4: {  	[sflag:s29] =	ssyncadd.s32 $0xFFFFFFFF  }
0xb5: {  	_ =	strace $0x9000004B  }
0xb6: {  	_ =	sfence  }
0xb7: {  	s30 =	sld [smem:$0x0];
	_ =	sdelay $0x2  }
0xb8: {  	s31 =	sshll.u32 s1, $0xD;
	s1 =	sshrl.u32 s1, $0x2  }
0xb9: {  	s3 =	sand.u32 $0x4000, s31;
	s1 =	sadd.s32 s1, s30  }
0xba: {  	s0 =	sor.u32 s3, s0;
	s1 =	sshll.u32 s1, $0x11  }
0xbb: {  	s0 =	sor.u32 s1, s0  }
0xbc: {  	s0 =	sadd.s32 $0x8F2B, s0  }
0xbd: {  	[sflag:s0] =	ssyncadd.remote.s32 $0x1  }
0xbe: {  	_ =	sfence.sel $0xFFFF  }
0xbf: {  	[dreg:$0x0] =	wrdreg $0xFFFFFFFF;
	(pc) =	sbr.abs _section_cstart, $3  }
0xc0: {  	[dreg:$0x1] =	wrdreg $0xFFFFFFFF  }
0xc1: {  	_ =	task.clear_ibuf [dreg:s6], $0x2FFFF;
	_ =	strace $0x9FFFFFFF  }
0xc2: {  	(tm) =	ssettm $0x7FFFFFFF  }
0xc3: {  	_ =	shalt  }
tec
execute0_lowered:
.L_overlay_start_1:
0x0: {  	(tag) =	ssettag $0x1  }
0x1: {  	s0 =	srdreg.scid;
	s7 =	rddreg [dreg:$0x0]  }
0x2: {  	s2 =	rddreg [dreg:$0x1];
	s3 =	simm.s32 $0x0;
	s13 =	simm.s32 $0x1400  }
0x3: {  	s14 =	simm.s32 $0x2800;
	s15 =	simm.s32 $0x80;
	s16 =	simm.s32 $0x6800  }
0x4: {  	s17 =	simm.s32 $0x1;
	s18 =	simm.s32 $0x2;
	s19 =	simm.s32 $0x2700  }
0x5: {  	s20 =	simm.s32 $0x2780;
	s6 =	sand.u32 $0x1, s0;
	s0 =	stileid.u32  }
0x6: {  	s21 =	simm.s32 $0x0;
	[smem:$0x7FF] =	sst s3;
	s8 =	smul.u32 $0x140000, s6  }
0x7: {  	s4 =	sadd.s32 $0x16E00, s7;
	s1 =	sshll.u32 s6, $0x4;
	s9 =	smul.u32 $0x14000, s0  }
0x8: {  	s30 =	smul.u32 $0x50000, s0;
	s6 =	ssub.s32 $0x2, s6;
	s1 =	sor.u32 s0, s1  }
0x9: {  	s11 =	sshll.u32 s0, $0x6;
	s31 =	sshrl.u32 s6, $0x1;
	s5 =	smul.u32 $0x5000, s1  }
0xa: {  	s1 =	rddreg [dreg:$0x2];
	_ =	strace $0x8000004A;
	s8 =	sadd.s32 s9, s8  }
0xb: {  	s9 =	sshrl.u32 s30, $0x2;
	s8 =	sshrl.u32 s8, $0x3;
	s5 =	sshrl.u32 s5, $0x3  }
0xc: {  	s12 =	sadd.s32 s9, s2;
	s10 =	sadd.s32 s5, s7;
	s5 =	sadd.s32 $0x3E000, s7  }
0xd: {  	s7 =	sadd.s32 s8, s7;
	s8 =	ssub.s32 s6, s31;
	s6 =	sor.u32 $0x1C03, s11  }
0xe: {  	s11 =	sshrl.u32 s12, $0x3;
	s12 =	simm.s32 $0x3;
	s7 =	sadd.s32 $0x40800, s7  }
0xf: {  	s8 =	smax.u32 s8, $0x1;
	s9 =	sadd.s32 $0x2E00, s10;
	s10 =	sadd.s32 $0x3080, s10  }
.LBB2_1:
0x10: {  	[spmem:s11], [sflag:s6] =	dma.local [hbm:s5], $0x2800  }
0x11: {  	_ =	swait.ge [sflag:s12], $0x2800  }
0x12: {  	[sflag:s12] =	ssyncset.done $0x0  }
0x13: {  	[sflag:s12] =	ssyncadd.s32 $0xFFFFD800  }
0x14: {  	[bflag:$0x0] =	sbarrier.arrive $0xFFFF  }
0x15: {  	[tilespmem:s3], [sflag:$0x3] =	stream.strided.gather [hbm4b:s9+s13], $0x2800, s14, s13, $0x38;
	[tilespmem:$0x1E800] =	vst v63  }
0x16: {  	_ =	swait.ge [sflag:s12], $0x2800  }
0x17: {  	[sflag:s12] =	ssyncset.done $0x0  }
0x18: {  	[sflag:s12] =	ssyncadd.s32 $0xFFFFD800  }
0x19: {  	[tilespmem:s14], [sflag:$0x1] =	stream.indirect.gather [hbm4b:s4+s15], $0x80, s3, s15, $0xb8;
	[tilespmem:$0x1E800] =	vst v63  }
0x1a: {  	_ = 	snop  }
0x1b: {  	[tilespmem:s16], [sflag:$0x2] =	stream.indirect.gather [hbm4b:s4+s15], $0x80, s15, s15, $0xb8;
	[tilespmem:$0x1E800] =	vst v63  }
0x1c: {  	_ =	swait.ge [sflag:s17], $0x4000  }
0x1d: {  	[sflag:s17] =	ssyncset.done $0x0  }
0x1e: {  	s22 =	simm.s32 $0x1400;
	[sflag:s17] =	ssyncadd.s32 $0xFFFFC000  }
0x1f: {  	[spmem:s2] =	stream.indirect.scatter.add.f32 [tilespmem:s14], [sflag:$0x3], $0x80, s22, s15, $0xb8;
	[tilespmem:$0x1E800] =	vst v63  }
0x20: {  	_ =	swait.ge [sflag:s12], $0x4000  }
0x21: {  	[sflag:s12] =	ssyncset.done $0x0  }
0x22: {  	s30 =	simm.s32 $0x100;
	[sflag:s12] =	ssyncadd.s32 $0xFFFFC000  }
0x23: {  	[tilespmem:s14], [sflag:$0x1] =	stream.indirect.gather [hbm4b:s4+s15], $0x80, s30, s15, $0xb8;
	[tilespmem:$0x1E800] =	vst v63  }
0x24: {  	_ =	swait.ge [sflag:s18], $0x4000  }
0x25: {  	[sflag:s18] =	ssyncset.done $0x0  }
0x26: {  	s31 =	simm.s32 $0x1480;
	[sflag:s18] =	ssyncadd.s32 $0xFFFFC000  }
0x27: {  	[spmem:s2] =	stream.indirect.scatter.add.f32 [tilespmem:s16], [sflag:$0x3], $0x80, s31, s15, $0xb8;
	[tilespmem:$0x1E800] =	vst v63  }
0x28: {  	_ =	swait.ge [sflag:s12], $0x4000  }
0x29: {  	[sflag:s12] =	ssyncset.done $0x0  }
0x2a: {  	s23 =	simm.s32 $0x180;
	s22 =	simm.s32 $0x800;
	[sflag:s12] =	ssyncadd.s32 $0xFFFFC000  }
.LBB2_2:
0x2b: {  	[tilespmem:s16], [sflag:$0x2] =	stream.indirect.gather [hbm4b:s4+s15], $0x80, s23, s15, $0xb8;
	[tilespmem:$0x1E800] =	vst v63  }
0x2c: {  	s23 =	smov.u32 s22  }
0x2d: {  	p0 =	sne.s32 s22, $0x4C00;
	s22 =	sadd.s32 $0x400, s22;
	_ =	swait.ge [sflag:s17], $0x4000  }
0x2e: {  	s23 =	sshra.s32 s23, $0x2;
	[sflag:s17] =	ssyncset.done $0x0  }
0x2f: {  	s24 =	sadd.s32 $0x1300, s23;
	[sflag:s17] =	ssyncadd.s32 $0xFFFFC000  }
0x30: {  	[spmem:s2] =	stream.indirect.scatter.add.f32 [tilespmem:s14], [sflag:$0x3], $0x80, s24, s15, $0xb8;
	[tilespmem:$0x1E800] =	vst v63  }
0x31: {  	_ =	swait.ge [sflag:s12], $0x4000  }
0x32: {  	[sflag:s12] =	ssyncset.done $0x0  }
0x33: {  	[sflag:s12] =	ssyncadd.s32 $0xFFFFC000  }
0x34: {  	[tilespmem:s14], [sflag:$0x1] =	stream.indirect.gather [hbm4b:s4+s15], $0x80, s23, s15, $0xb8;
	[tilespmem:$0x1E800] =	vst v63  }
0x35: {  	_ =	swait.ge [sflag:s18], $0x4000  }
0x36: {  	[sflag:s18] =	ssyncset.done $0x0  }
.Ltmp0:
0x37: {  	s24 =	sadd.s32 $0x1380, s23;
	[sflag:s18] =	ssyncadd.s32 $0xFFFFC000;
	(pc) =	sbr.rel @p0 .LBB2_2-.Ltmp0, $4  }
0x38: {  	[spmem:s2] =	stream.indirect.scatter.add.f32 [tilespmem:s16], [sflag:$0x3], $0x80, s24, s15, $0xb8;
	[tilespmem:$0x1E800] =	vst v63  }
0x39: {  	_ =	swait.ge [sflag:s12], $0x4000  }
0x3a: {  	[sflag:s12] =	ssyncset.done $0x0  }
0x3b: {  	s23 =	sadd.s32 $0x80, s23;
	[sflag:s12] =	ssyncadd.s32 $0xFFFFC000  }
0x3c: {  	[tilespmem:s16], [sflag:$0x2] =	stream.indirect.gather [hbm4b:s4+s15], $0x80, s23, s15, $0xb8;
	[tilespmem:$0x1E800] =	vst v63  }
0x3d: {  	_ =	swait.ge [sflag:s17], $0x4000  }
0x3e: {  	[sflag:s17] =	ssyncset.done $0x0  }
0x3f: {  	[sflag:s17] =	ssyncadd.s32 $0xFFFFC000  }
0x40: {  	[spmem:s2] =	stream.indirect.scatter.add.f32 [tilespmem:s14], [sflag:$0x3], $0x80, s19, s15, $0xb8;
	[tilespmem:$0x1E800] =	vst v63  }
0x41: {  	_ =	swait.ge [sflag:s12], $0x4000  }
0x42: {  	[sflag:s12] =	ssyncset.done $0x0  }
0x43: {  	[sflag:s12] =	ssyncadd.s32 $0xFFFFC000  }
0x44: {  	_ =	swait.ge [sflag:s18], $0x4000  }
0x45: {  	[sflag:s18] =	ssyncset.done $0x0  }
0x46: {  	[sflag:s18] =	ssyncadd.s32 $0xFFFFC000  }
0x47: {  	[spmem:s2] =	stream.indirect.scatter.add.f32 [tilespmem:s16], [sflag:$0x3], $0x80, s20, s15, $0xb8;
	[tilespmem:$0x1E800] =	vst v63  }
0x48: {  	_ =	swait.ge [sflag:s12], $0x4000  }
0x49: {  	[sflag:s12] =	ssyncset.done $0x0  }
0x4a: {  	[sflag:s12] =	ssyncadd.s32 $0xFFFFC000  }
0x4b: {  	[tilespmem:s3], [sflag:$0x3] =	stream.strided.gather [hbm4b:s10+s13], $0x2800, s14, s13, $0x38;
	[tilespmem:$0x1E800] =	vst v63  }
0x4c: {  	_ =	swait.ge [sflag:s12], $0x2800  }
0x4d: {  	[sflag:s12] =	ssyncset.done $0x0  }
0x4e: {  	[sflag:s12] =	ssyncadd.s32 $0xFFFFD800  }
0x4f: {  	[tilespmem:s14], [sflag:$0x1] =	stream.indirect.gather [hbm4b:s4+s15], $0x80, s3, s15, $0xb8;
	[tilespmem:$0x1E800] =	vst v63  }
0x50: {  	_ = 	snop  }
0x51: {  	[tilespmem:s16], [sflag:$0x2] =	stream.indirect.gather [hbm4b:s4+s15], $0x80, s15, s15, $0xb8;
	[tilespmem:$0x1E800] =	vst v63  }
0x52: {  	_ =	swait.ge [sflag:s17], $0x4000  }
0x53: {  	[sflag:s17] =	ssyncset.done $0x0  }
0x54: {  	s22 =	simm.s32 $0x1400;
	[sflag:s17] =	ssyncadd.s32 $0xFFFFC000  }
0x55: {  	[spmem:s2] =	stream.indirect.scatter.add.f32 [tilespmem:s14], [sflag:$0x3], $0x80, s22, s15, $0xb8;
	[tilespmem:$0x1E800] =	vst v63  }
0x56: {  	_ =	swait.ge [sflag:s12], $0x4000  }
0x57: {  	[sflag:s12] =	ssyncset.done $0x0  }
0x58: {  	s30 =	simm.s32 $0x100;
	[sflag:s12] =	ssyncadd.s32 $0xFFFFC000  }
0x59: {  	[tilespmem:s14], [sflag:$0x1] =	stream.indirect.gather [hbm4b:s4+s15], $0x80, s30, s15, $0xb8;
	[tilespmem:$0x1E800] =	vst v63  }
0x5a: {  	_ =	swait.ge [sflag:s18], $0x4000  }
0x5b: {  	[sflag:s18] =	ssyncset.done $0x0  }
0x5c: {  	s31 =	simm.s32 $0x1480;
	[sflag:s18] =	ssyncadd.s32 $0xFFFFC000  }
0x5d: {  	[spmem:s2] =	stream.indirect.scatter.add.f32 [tilespmem:s16], [sflag:$0x3], $0x80, s31, s15, $0xb8;
	[tilespmem:$0x1E800] =	vst v63  }
0x5e: {  	_ =	swait.ge [sflag:s12], $0x4000  }
0x5f: {  	[sflag:s12] =	ssyncset.done $0x0  }
0x60: {  	s23 =	simm.s32 $0x180;
	s22 =	simm.s32 $0x800;
	[sflag:s12] =	ssyncadd.s32 $0xFFFFC000  }
.LBB2_4:
0x61: {  	[tilespmem:s16], [sflag:$0x2] =	stream.indirect.gather [hbm4b:s4+s15], $0x80, s23, s15, $0xb8;
	[tilespmem:$0x1E800] =	vst v63  }
0x62: {  	s23 =	smov.u32 s22  }
0x63: {  	p0 =	sne.s32 s22, $0x4C00;
	s22 =	sadd.s32 $0x400, s22;
	_ =	swait.ge [sflag:s17], $0x4000  }
0x64: {  	s23 =	sshra.s32 s23, $0x2;
	[sflag:s17] =	ssyncset.done $0x0  }
0x65: {  	s24 =	sadd.s32 $0x1300, s23;
	[sflag:s17] =	ssyncadd.s32 $0xFFFFC000  }
0x66: {  	[spmem:s2] =	stream.indirect.scatter.add.f32 [tilespmem:s14], [sflag:$0x3], $0x80, s24, s15, $0xb8;
	[tilespmem:$0x1E800] =	vst v63  }
0x67: {  	_ =	swait.ge [sflag:s12], $0x4000  }
0x68: {  	[sflag:s12] =	ssyncset.done $0x0  }
0x69: {  	[sflag:s12] =	ssyncadd.s32 $0xFFFFC000  }
0x6a: {  	[tilespmem:s14], [sflag:$0x1] =	stream.indirect.gather [hbm4b:s4+s15], $0x80, s23, s15, $0xb8;
	[tilespmem:$0x1E800] =	vst v63  }
0x6b: {  	_ =	swait.ge [sflag:s18], $0x4000  }
0x6c: {  	[sflag:s18] =	ssyncset.done $0x0  }
.Ltmp1:
0x6d: {  	s24 =	sadd.s32 $0x1380, s23;
	[sflag:s18] =	ssyncadd.s32 $0xFFFFC000;
	(pc) =	sbr.rel @p0 .LBB2_4-.Ltmp1, $4  }
0x6e: {  	[spmem:s2] =	stream.indirect.scatter.add.f32 [tilespmem:s16], [sflag:$0x3], $0x80, s24, s15, $0xb8;
	[tilespmem:$0x1E800] =	vst v63  }
0x6f: {  	_ =	swait.ge [sflag:s12], $0x4000  }
0x70: {  	[sflag:s12] =	ssyncset.done $0x0  }
0x71: {  	s23 =	sadd.s32 $0x80, s23;
	[sflag:s12] =	ssyncadd.s32 $0xFFFFC000  }
0x72: {  	[tilespmem:s16], [sflag:$0x2] =	stream.indirect.gather [hbm4b:s4+s15], $0x80, s23, s15, $0xb8;
	[tilespmem:$0x1E800] =	vst v63  }
0x73: {  	_ =	swait.ge [sflag:s17], $0x4000  }
0x74: {  	[sflag:s17] =	ssyncset.done $0x0  }
0x75: {  	[sflag:s17] =	ssyncadd.s32 $0xFFFFC000  }
0x76: {  	[spmem:s2] =	stream.indirect.scatter.add.f32 [tilespmem:s14], [sflag:$0x3], $0x80, s19, s15, $0xb8;
	[tilespmem:$0x1E800] =	vst v63  }
0x77: {  	_ =	swait.ge [sflag:s12], $0x4000  }
0x78: {  	[sflag:s12] =	ssyncset.done $0x0  }
0x79: {  	[sflag:s12] =	ssyncadd.s32 $0xFFFFC000  }
0x7a: {  	_ =	swait.ge [sflag:s18], $0x4000  }
0x7b: {  	[sflag:s18] =	ssyncset.done $0x0  }
0x7c: {  	[sflag:s18] =	ssyncadd.s32 $0xFFFFC000  }
0x7d: {  	[spmem:s2] =	stream.indirect.scatter.add.f32 [tilespmem:s16], [sflag:$0x3], $0x80, s20, s15, $0xb8;
	[tilespmem:$0x1E800] =	vst v63  }
0x7e: {  	_ =	swait.ge [sflag:s12], $0x4000  }
0x7f: {  	s21 =	sadd.s32 $0x1, s21;
	[sflag:s12] =	ssyncset.done $0x0  }
0x80: {  	p0 =	sne.s32 s21, s8;
	[sflag:s12] =	ssyncadd.s32 $0xFFFFC000  }
.Ltmp2:
0x81: {  	[bflag:$0x0] =	sbarrier.arrive $0xFFFF;
	(pc) =	sbr.rel @p0 .LBB2_1-.Ltmp2, $4  }
0x82: {  	[hbm:s7], [sflag:s6] =	dma.local [spmem:s11], $0x2800  }
0x83: {  	_ =	swait.ge [sflag:s12], $0x2800  }
0x84: {  	[sflag:s12] =	ssyncset.done $0x0  }
0x85: {  	[sflag:s12] =	ssyncadd.s32 $0xFFFFD800  }
0x86: {  	_ =	sfence.sel $0x180000  }
0x87: {  	[bflag:$0x0] =	sbarrier.arrive $0xFFFF  }
0x88: {  	p0 =	sne.s32 s0, $0x0;
	_ =	strace $0x9000004A  }
0x89: {  	s0 =	sadd.s32 @!p0 $0x100000, s1;
	[bflag:$0x2] =	sbarrier.arrive $0xFFFF  }
0x8a: {  	[sflag:s0] =	ssyncadd.tile.s32 @!p0 $0x1;
	_ =	shalt  }
.Lfunc_end2:
_tile_overlayer_lowered:
.L_overlay_start_2:
0x8b: {  	(tag) =	ssettag $0x2  }
0x8c: {  	s0 =	rddreg [dreg:$0x0];
	s2 =	stileid.u32  }
0x8d: {  	s1 =	rddreg [dreg:$0x1];
	p0 =	sne.s32 s2, $0x0  }
0x8e: {  	s3 =	rddreg [dreg:$0x2];
	[bflag:$0x3] =	sbarrier.arrive $0xFFFF;
	s2 =	simm.s32 @!p0 $0x1C03  }
0x8f: {  	[timem:s3], [sflag:s2] =	dma.local @!p0 [hbm:s0], s1  }
0x90: {  	s0 =	simm.s32 @!p0 $0x3  }
0x91: {  	_ =	swait.ge @!p0 [sflag:s0], s1  }
0x92: {  	s1 =	ssub.s32 @!p0 $0x0, s1;
	[sflag:s0] =	ssyncset.done @!p0 $0x0  }
0x93: {  	[sflag:s0] =	ssyncadd.s32 @!p0 s1  }
0x94: {  	[bflag:$0x3] =	sbarrier.arrive $0xFFFF  }
0x95: {  	_ =	shalt  }

// kernel: kernel.7.cloned.1.call-start
scs
__scs_entry_jumppad:
0x0: {  	(pc) =	sbr.rel $0x88, $3  }
0x1: {  	(tag) =	ssettag $0x0;
	lr =	simm.s32 $0x1  }
0x2: {  	[smem:$0x3F91] =	sst lr;
	_ =	strace $0xD0000000  }
0x3: {  	_ = 	snop  }
0x4: {  	_ = 	snop  }
0x5: {  	_ = 	snop  }
0x6: {  	_ = 	snop  }
0x7: {  	_ = 	snop  }
__scs_overlays_trampoline_lowered:
0x8: {  	[smem:$0x3FA0] =	sst s0  }
0x9: {  	[smem:$0x3FA1] =	sst s1  }
0xa: {  	[smem:$0x3FA2] =	sst s2  }
0xb: {  	[smem:$0x3FA3] =	sst s3  }
0xc: {  	[smem:$0x3FA4] =	sst s4  }
0xd: {  	[smem:$0x3FA5] =	sst s5  }
0xe: {  	[smem:$0x3FA6] =	sst s6  }
0xf: {  	[smem:$0x3FA7] =	sst s7  }
0x10: {  	[smem:$0x3FA8] =	sst s8  }
0x11: {  	[smem:$0x3FA9] =	sst s9;
	s0 =	simm.s32 @!p0 $0x0  }
0x12: {  	s1 =	sld [smem:$0x3F8F];
	s0 =	simm.s32 @p0 $0x1  }
0x13: {  	[smem:$0x3FAA] =	sst s0;
	s0 =	simm.s32 @!p1 $0x0  }
0x14: {  	s2 =	sld [smem:$0x3F8E];
	s0 =	simm.s32 @p1 $0x1  }
0x15: {  	[smem:$0x3FAB] =	sst s0;
	s0 =	simm.s32 @!p2 $0x0  }
0x16: {  	s3 =	sld [smem:$0x3FDB];
	s0 =	simm.s32 @p2 $0x1  }
0x17: {  	s4 =	simm.s32 $0x1BF5;
	[smem:$0x3FAD] =	sst s0  }
0x18: {  	s0 =	sld [smem:$0x3F90];
	_ =	swait.ge [sflag:s4], $0x0  }
0x19: {  	s7 =	sld [smem:$0x3F91]  }
0x1a: {  	s8 =	sadd.s32 $0xFFFFE003, lr  }
0x1b: {  	s9 =	sadd.s32 $0xFFFFFEF7, lr;
	s5 =	simm.s32 $0xFFFFFFFF;
	p2 =	slt.u32 s8, $0xFFFFF086  }
0x1c: {  	p1 =	slt.u32 s9, $0xF7A;
	s5 =	simm.s32 @!p2 $0x0  }
0x1d: {  	s5 =	simm.s32 @p1 $0x1;
	p0 =	seq.s32 s7, s2  }
0x1e: {  	s7 =	smul.u32 @!p0 $0xF7A, s2;
	p2 =	seq.s32 @!p0 s5, $0x0  }
0x1f: {  	s9 =	smul.u32 $0xF7A, s1;
	s8 =	simm.s32 @!p0 $0x1BF5;
	p2 =	por !p2, p0  }
0x20: {  	[sflag:s8] =	ssyncset.s32 @!p0 $0xFFFFF086;
	s6 =	sadd.s32 @!p0 s3, s7;
	s7 =	simm.s32 @!p0 $0x108  }
0x21: {  	s3 =	sadd.s32 s3, s9;
	s6 =	sadd.s32 @!p0 $0x88, s6;
	s7 =	simm.s32 @p2 $0x1082  }
0x22: {  	[simem:s7], [sflag:s8] =	dma.local @!p0 [hbm:s6], $0xF7A  }
0x23: {  	s9 =	sor.u32 $0xD0000000, s2;
	s6 =	simm.s32 $0x108;
	_ =	swait.ge @!p0 [sflag:s8], $0x0  }
0x24: {  	s3 =	sadd.s32 $0x88, s3;
	s6 =	simm.s32 @!p1 $0x1082;
	[sflag:s4] =	ssyncset.s32 $0xFFFFF086  }
0x25: {  	[simem:s6], [sflag:s4] =	dma.local [hbm:s3], $0xF7A  }
0x26: {  	[smem:$0x3F91] =	sst s1;
	(tag) =	ssettag s2;
	_ =	strace s9  }
0x27: {  	s1 =	sld [smem:$0x3FA1]  }
0x28: {  	s2 =	sld [smem:$0x3FA2]  }
0x29: {  	s4 =	sld [smem:$0x3FA4]  }
0x2a: {  	p0 =	seq.s32 s5, $0x0;
	s5 =	sld [smem:$0x3FA5]  }
0x2b: {  	s6 =	sld [smem:$0x3FA6]  }
0x2c: {  	s7 =	sld [smem:$0x3FA7]  }
0x2d: {  	s3 =	simm.s32 $0x108;
	s8 =	sld [smem:$0x3FA8]  }
0x2e: {  	s3 =	simm.s32 @!p0 $0x1082;
	s9 =	sld [smem:$0x3FA9]  }
0x2f: {  	lr =	sadd.s32 s0, s3;
	s0 =	sld [smem:$0x3FA0]  }
0x30: {  	s3 =	sld [smem:$0x3FA3]  }
0x31: {  	[smem:$0x3FAC] =	sst s10  }
0x32: {  	s10 =	sld [smem:$0x3FAA];
	_ =	sdelay $0x3  }
0x33: {  	p0 =	seq.s32 s10, $0x1;
	s10 =	sld [smem:$0x3FAC];
	_ =	sdelay $0x3  }
0x34: {  	[smem:$0x3FAC] =	sst s10  }
0x35: {  	s10 =	sld [smem:$0x3FAB];
	_ =	sdelay $0x3  }
0x36: {  	p1 =	seq.s32 s10, $0x1;
	s10 =	sld [smem:$0x3FAC];
	_ =	sdelay $0x3  }
0x37: {  	[smem:$0x3FAC] =	sst s10  }
0x38: {  	s10 =	sld [smem:$0x3FAD]  }
0x39: {  	_ = 	snop;
	(pc) =	sbr.ind lr, $3  }
0x3a: {  	_ = 	snop  }
0x3b: {  	_ = 	snop  }
0x3c: {  	p2 =	seq.s32 s10, $0x1;
	s10 =	sld [smem:$0x3FAC]  }
0x3d: {  	_ =	shalt  }
0x3e: {  	_ =	shalt  }
0x3f: {  	_ =	shalt  }
0x40: {  	_ =	shalt  }
0x41: {  	_ =	shalt  }
0x42: {  	_ =	shalt  }
0x43: {  	_ =	shalt  }
0x44: {  	_ =	shalt  }
0x45: {  	_ =	shalt  }
0x46: {  	_ =	shalt  }
0x47: {  	_ =	shalt  }
0x48: {  	_ =	shalt  }
0x49: {  	_ =	shalt  }
0x4a: {  	_ =	shalt  }
0x4b: {  	_ =	shalt  }
0x4c: {  	_ =	shalt  }
0x4d: {  	_ =	shalt  }
0x4e: {  	_ =	shalt  }
0x4f: {  	_ =	shalt  }
0x50: {  	_ =	shalt  }
0x51: {  	_ =	shalt  }
0x52: {  	_ =	shalt  }
0x53: {  	_ =	shalt  }
0x54: {  	_ =	shalt  }
0x55: {  	_ =	shalt  }
0x56: {  	_ =	shalt  }
0x57: {  	_ =	shalt  }
0x58: {  	_ =	shalt  }
0x59: {  	_ =	shalt  }
0x5a: {  	_ =	shalt  }
0x5b: {  	_ =	shalt  }
0x5c: {  	_ =	shalt  }
0x5d: {  	_ =	shalt  }
0x5e: {  	_ =	shalt  }
0x5f: {  	_ =	shalt  }
0x60: {  	_ =	shalt  }
0x61: {  	_ =	shalt  }
0x62: {  	_ =	shalt  }
0x63: {  	_ =	shalt  }
0x64: {  	_ =	shalt  }
0x65: {  	_ =	shalt  }
0x66: {  	_ =	shalt  }
0x67: {  	_ =	shalt  }
0x68: {  	_ =	shalt  }
0x69: {  	_ =	shalt  }
0x6a: {  	_ =	shalt  }
0x6b: {  	_ =	shalt  }
0x6c: {  	_ =	shalt  }
0x6d: {  	_ =	shalt  }
0x6e: {  	_ =	shalt  }
0x6f: {  	_ =	shalt  }
0x70: {  	_ =	shalt  }
0x71: {  	_ =	shalt  }
0x72: {  	_ =	shalt  }
0x73: {  	_ =	shalt  }
0x74: {  	_ =	shalt  }
0x75: {  	_ =	shalt  }
0x76: {  	_ =	shalt  }
0x77: {  	_ =	shalt  }
0x78: {  	_ =	shalt  }
0x79: {  	_ =	shalt  }
0x7a: {  	_ =	shalt  }
0x7b: {  	_ =	shalt  }
0x7c: {  	_ =	shalt  }
0x7d: {  	_ =	shalt  }
0x7e: {  	_ =	shalt  }
0x7f: {  	_ =	shalt  }
0x80: {  	_ =	shalt  }
0x81: {  	_ =	shalt  }
0x82: {  	_ =	shalt  }
0x83: {  	_ =	shalt  }
0x84: {  	_ =	shalt  }
0x85: {  	_ =	shalt  }
0x86: {  	_ =	shalt  }
0x87: {  	_ =	shalt  }
.Lfunc_end0:
.L_simem_size_0:
called_computation_lowered:
.L_overlay_start_0:
0x88: {  	s2 =	sld [smem:$0x3FD9]  }
0x89: {  	s3 =	sld [smem:$0x3FFE];
	_ =	sdelay $0x1  }
0x8a: {  	s1 =	srdreg.scid  }
0x8b: {  	s0 =	sand.u32 $0x1, s1  }
0x8c: {  	s17 =	sshll.u32 s0, $0xA;
	s2 =	sadd.s32 s3, s2  }
0x8d: {  	s2 =	sadd.s32 s2, s17  }
0x8e: {  	[smem:$0x3FB8] =	sst s2  }
0x8f: {  	_ = 	snop  }
0x90: {  	s2 =	sld [smem:$0x3FD0];
	(tm) =	ssettm $0x1  }
0x91: {  	s18 =	sld [smem:$0x3FFB];
	_ =	sdelay $0x3  }
0x92: {  	_ =	strace s18  }
0x93: {  	s3 =	sld [smem:$0x3FFC];
	_ =	sdelay $0x3  }
0x94: {  	_ =	strace s3  }
0x95: {  	s3 =	sld [smem:$0x3FFD];
	_ =	sdelay $0x3  }
0x96: {  	_ =	strace s3  }
0x97: {  	_ =	strace $0x8FFFFFFF  }
0x98: {  	s19 =	sld [smem:$0x3FDB];
	_ =	sdelay $0x1  }
0x99: {  	s4 =	simm.s32 $_scs_section_size  }
0x9a: {  	s5 =	simm.s32 $_size__tile_overlayer_lowered;
	s6 =	simm.s32 $_tile_overlayer_lowered  }
0x9b: {  	s22 =	simm.s32 $0x1BFF;
	s21 =	sshll.u32 s6, $0x1;
	s3 =	sadd.s32 s4, s19  }
0x9c: {  	s7 =	simm.s32 $0x0;
	s20 =	sshll.u32 s5, $0x1;
	s5 =	sadd.s32 s21, s3  }
0x9d: {  	[timem:s7], [sflag:s22] =	dma.local [hbm:s5], s20  }
0x9e: {  	_ =	swait.ge [sflag:s22], s20  }
0x9f: {  	s4 =	ssub.s32 $0x0, s20;
	[sflag:s22] =	ssyncset.done $0x0  }
0xa0: {  	[sflag:s22] =	ssyncadd.s32 s4;
	_ =	sdelay $0x1  }
0xa1: {  	s23 =	simm.s32 $0x1B8B  }
0xa2: {  	_ =	swait.ge [sflag:s23], $0x1  }
0xa3: {  	[sflag:s23] =	ssyncset.done $0x0  }
0xa4: {  	s25 =	simm.s32 $0x1B8E;
	s24 =	sld [smem:$0x3FFE];
	[sflag:s23] =	ssyncadd.s32 $0xFFFFFFFF  }
0xa5: {  	s26 =	simm.s32 $execute0_lowered;
	[smem:$0x3FD2] =	sst s25  }
0xa6: {  	s5 =	sshll.u32 s26, $0x1;
	_ =	strace $0x80000046;
	[dreg:$0x1] =	wrdreg $0xFFFFFFFF  }
0xa7: {  	s28 =	simm.s32 $_size_execute0_lowered;
	s3 =	sadd.s32 s3, s5;
	[dreg:$0x0] =	wrdreg $0x0  }
0xa8: {  	s5 =	sshll.u32 s28, $0x1;
	[dreg:$0x2] =	wrdreg s3  }
0xa9: {  	[dreg:$0x3] =	wrdreg s5  }
0xaa: {  	[dreg:$0x4] =	wrdreg $0xC0  }
0xab: {  	_ =	task [dreg:s7], $0x5FFFF  }
0xac: {  	[dreg:$0x1] =	wrdreg $0xFFFFFFFF  }
0xad: {  	[dreg:$0x0] =	wrdreg $0x60  }
0xae: {  	[dreg:$0x2] =	wrdreg s24  }
0xaf: {  	[dreg:$0x3] =	wrdreg s2  }
0xb0: {  	[dreg:$0x4] =	wrdreg $0xA8000  }
0xb1: {  	[dreg:$0x5] =	wrdreg $0x9  }
0xb2: {  	_ =	task.clear_ibuf [dreg:s7], $0x6FFFF;
	_ =	strace $0x90000046  }
0xb3: {  	s29 =	simm.s32 $0x9;
	_ =	strace $0x80000048  }
0xb4: {  	_ =	swait.ge [sflag:s29], $0x1  }
0xb5: {  	[sflag:s29] =	ssyncadd.s32 $0xFFFFFFFF  }
0xb6: {  	_ =	strace $0x90000048  }
0xb7: {  	_ =	sfence  }
0xb8: {  	s30 =	sld [smem:$0x0];
	_ =	sdelay $0x2  }
0xb9: {  	s31 =	sshll.u32 s1, $0xD;
	s1 =	sshrl.u32 s1, $0x2  }
0xba: {  	s3 =	sand.u32 $0x4000, s31;
	s1 =	sadd.s32 s1, s30  }
0xbb: {  	s0 =	sor.u32 s3, s0;
	s1 =	sshll.u32 s1, $0x11  }
0xbc: {  	s0 =	sor.u32 s1, s0  }
0xbd: {  	s0 =	sadd.s32 $0x8F2B, s0  }
0xbe: {  	[sflag:s0] =	ssyncadd.remote.s32 $0x1  }
0xbf: {  	_ =	sfence.sel $0xFFFF  }
0xc0: {  	[dreg:$0x0] =	wrdreg $0xFFFFFFFF;
	(pc) =	sbr.abs _section_cstart, $3  }
0xc1: {  	[dreg:$0x1] =	wrdreg $0xFFFFFFFF  }
0xc2: {  	_ =	task.clear_ibuf [dreg:s7], $0x2FFFF;
	_ =	strace $0x9FFFFFFF  }
0xc3: {  	(tm) =	ssettm $0x7FFFFFFF  }
tec
execute0_lowered:
.L_overlay_start_1:
0x0: {  	(tag) =	ssettag $0x1  }
0x1: {  	s7 =	rddreg [dreg:$0x0]  }
0x2: {  	s2 =	rddreg [dreg:$0x1]  }
0x3: {  	s0 =	srdreg.scid;
	s3 =	rddreg [dreg:$0x2]  }
0x4: {  	s4 =	simm.s32 $0x0;
	s15 =	simm.s32 $0x1400;
	s16 =	simm.s32 $0x2800  }
0x5: {  	s17 =	simm.s32 $0x80;
	s18 =	simm.s32 $0x6800;
	s19 =	simm.s32 $0x1  }
0x6: {  	s20 =	simm.s32 $0x2;
	s21 =	simm.s32 $0x2700;
	s6 =	sand.u32 $0x1, s0  }
0x7: {  	s22 =	simm.s32 $0x2780;
	s0 =	stileid.u32;
	s8 =	smul.u32 $0x140000, s6  }
0x8: {  	s23 =	simm.s32 $0x0;
	[smem:$0x7FF] =	sst s4;
	s9 =	smul.u32 $0x14000, s0  }
0x9: {  	s1 =	sshll.u32 s6, $0x4;
	s26 =	ssub.s32 $0x2, s6;
	s28 =	smul.u32 $0x50000, s0  }
0xa: {  	s6 =	sadd.s32 $0x3E000, s7;
	s31 =	sshll.u32 s0, $0x6;
	s1 =	sor.u32 s0, s1  }
0xb: {  	s29 =	sshrl.u32 s26, $0x1;
	s5 =	smul.u32 $0x5000, s1;
	s1 =	rddreg [dreg:$0x3]  }
0xc: {  	_ =	strace $0x80000047;
	s8 =	sadd.s32 s9, s8;
	s30 =	sshrl.u32 s28, $0x2  }
0xd: {  	s13 =	ssub.s32 s26, s29;
	s8 =	sshrl.u32 s8, $0x3;
	s14 =	sadd.s32 s30, s3  }
0xe: {  	s10 =	sshrl.u32 s5, $0x3;
	s5 =	sadd.s32 $0x16E00, s7;
	s11 =	sadd.s32 s8, s7  }
0xf: {  	s12 =	sadd.s32 s10, s7;
	s7 =	sor.u32 $0x1C03, s31;
	s8 =	sadd.s32 $0x40800, s11  }
0x10: {  	s9 =	sadd.s32 $0x90800, s11;
	s10 =	smax.u32 s13, $0x1;
	s13 =	sshrl.u32 s14, $0x3  }
0x11: {  	s14 =	simm.s32 $0x3;
	s11 =	sadd.s32 $0x2E00, s12;
	s12 =	sadd.s32 $0x3080, s12  }
.LBB2_1:
0x12: {  	[spmem:s13], [sflag:s7] =	dma.local [hbm:s6], $0x2800  }
0x13: {  	_ =	swait.ge [sflag:s14], $0x2800  }
0x14: {  	[sflag:s14] =	ssyncset.done $0x0  }
0x15: {  	[sflag:s14] =	ssyncadd.s32 $0xFFFFD800  }
0x16: {  	[bflag:$0x0] =	sbarrier.arrive $0xFFFF  }
0x17: {  	[tilespmem:s4], [sflag:$0x3] =	stream.strided.gather [hbm4b:s11+s15], $0x2800, s16, s15, $0x38;
	[tilespmem:$0x1E800] =	vst v63  }
0x18: {  	_ =	swait.ge [sflag:s14], $0x2800  }
0x19: {  	[sflag:s14] =	ssyncset.done $0x0  }
0x1a: {  	[sflag:s14] =	ssyncadd.s32 $0xFFFFD800  }
0x1b: {  	[tilespmem:s16], [sflag:$0x1] =	stream.indirect.gather [hbm4b:s5+s17], $0x80, s4, s17, $0xb8;
	[tilespmem:$0x1E800] =	vst v63  }
0x1c: {  	_ = 	snop  }
0x1d: {  	[tilespmem:s18], [sflag:$0x2] =	stream.indirect.gather [hbm4b:s5+s17], $0x80, s17, s17, $0xb8;
	[tilespmem:$0x1E800] =	vst v63  }
0x1e: {  	_ =	swait.ge [sflag:s19], $0x4000  }
0x1f: {  	[sflag:s19] =	ssyncset.done $0x0  }
0x20: {  	s24 =	simm.s32 $0x1400;
	[sflag:s19] =	ssyncadd.s32 $0xFFFFC000  }
0x21: {  	[spmem:s3] =	stream.indirect.scatter.add.f32 [tilespmem:s16], [sflag:$0x3], $0x80, s24, s17, $0xb8;
	[tilespmem:$0x1E800] =	vst v63  }
0x22: {  	_ =	swait.ge [sflag:s14], $0x4000  }
0x23: {  	[sflag:s14] =	ssyncset.done $0x0  }
0x24: {  	s30 =	simm.s32 $0x100;
	[sflag:s14] =	ssyncadd.s32 $0xFFFFC000  }
0x25: {  	[tilespmem:s16], [sflag:$0x1] =	stream.indirect.gather [hbm4b:s5+s17], $0x80, s30, s17, $0xb8;
	[tilespmem:$0x1E800] =	vst v63  }
0x26: {  	_ =	swait.ge [sflag:s20], $0x4000  }
0x27: {  	[sflag:s20] =	ssyncset.done $0x0  }
0x28: {  	s31 =	simm.s32 $0x1480;
	[sflag:s20] =	ssyncadd.s32 $0xFFFFC000  }
0x29: {  	[spmem:s3] =	stream.indirect.scatter.add.f32 [tilespmem:s18], [sflag:$0x3], $0x80, s31, s17, $0xb8;
	[tilespmem:$0x1E800] =	vst v63  }
0x2a: {  	_ =	swait.ge [sflag:s14], $0x4000  }
0x2b: {  	[sflag:s14] =	ssyncset.done $0x0  }
0x2c: {  	s25 =	simm.s32 $0x180;
	s24 =	simm.s32 $0x800;
	[sflag:s14] =	ssyncadd.s32 $0xFFFFC000  }
.LBB2_2:
0x2d: {  	[tilespmem:s18], [sflag:$0x2] =	stream.indirect.gather [hbm4b:s5+s17], $0x80, s25, s17, $0xb8;
	[tilespmem:$0x1E800] =	vst v63  }
0x2e: {  	s25 =	smov.u32 s24  }
0x2f: {  	p0 =	sne.s32 s24, $0x4C00;
	s24 =	sadd.s32 $0x400, s24;
	_ =	swait.ge [sflag:s19], $0x4000  }
0x30: {  	s25 =	sshra.s32 s25, $0x2;
	[sflag:s19] =	ssyncset.done $0x0  }
0x31: {  	s26 =	sadd.s32 $0x1300, s25;
	[sflag:s19] =	ssyncadd.s32 $0xFFFFC000  }
0x32: {  	[spmem:s3] =	stream.indirect.scatter.add.f32 [tilespmem:s16], [sflag:$0x3], $0x80, s26, s17, $0xb8;
	[tilespmem:$0x1E800] =	vst v63  }
0x33: {  	_ =	swait.ge [sflag:s14], $0x4000  }
0x34: {  	[sflag:s14] =	ssyncset.done $0x0  }
0x35: {  	[sflag:s14] =	ssyncadd.s32 $0xFFFFC000  }
0x36: {  	[tilespmem:s16], [sflag:$0x1] =	stream.indirect.gather [hbm4b:s5+s17], $0x80, s25, s17, $0xb8;
	[tilespmem:$0x1E800] =	vst v63  }
0x37: {  	_ =	swait.ge [sflag:s20], $0x4000  }
0x38: {  	[sflag:s20] =	ssyncset.done $0x0  }
.Ltmp0:
0x39: {  	s26 =	sadd.s32 $0x1380, s25;
	[sflag:s20] =	ssyncadd.s32 $0xFFFFC000;
	(pc) =	sbr.rel @p0 .LBB2_2-.Ltmp0, $4  }
0x3a: {  	[spmem:s3] =	stream.indirect.scatter.add.f32 [tilespmem:s18], [sflag:$0x3], $0x80, s26, s17, $0xb8;
	[tilespmem:$0x1E800] =	vst v63  }
0x3b: {  	_ =	swait.ge [sflag:s14], $0x4000  }
0x3c: {  	[sflag:s14] =	ssyncset.done $0x0  }
0x3d: {  	s25 =	sadd.s32 $0x80, s25;
	[sflag:s14] =	ssyncadd.s32 $0xFFFFC000  }
0x3e: {  	[tilespmem:s18], [sflag:$0x2] =	stream.indirect.gather [hbm4b:s5+s17], $0x80, s25, s17, $0xb8;
	[tilespmem:$0x1E800] =	vst v63  }
0x3f: {  	_ =	swait.ge [sflag:s19], $0x4000  }
0x40: {  	[sflag:s19] =	ssyncset.done $0x0  }
0x41: {  	[sflag:s19] =	ssyncadd.s32 $0xFFFFC000  }
0x42: {  	[spmem:s3] =	stream.indirect.scatter.add.f32 [tilespmem:s16], [sflag:$0x3], $0x80, s21, s17, $0xb8;
	[tilespmem:$0x1E800] =	vst v63  }
0x43: {  	_ =	swait.ge [sflag:s14], $0x4000  }
0x44: {  	[sflag:s14] =	ssyncset.done $0x0  }
0x45: {  	[sflag:s14] =	ssyncadd.s32 $0xFFFFC000  }
0x46: {  	_ =	swait.ge [sflag:s20], $0x4000  }
0x47: {  	[sflag:s20] =	ssyncset.done $0x0  }
0x48: {  	[sflag:s20] =	ssyncadd.s32 $0xFFFFC000  }
0x49: {  	[spmem:s3] =	stream.indirect.scatter.add.f32 [tilespmem:s18], [sflag:$0x3], $0x80, s22, s17, $0xb8;
	[tilespmem:$0x1E800] =	vst v63  }
0x4a: {  	_ =	swait.ge [sflag:s14], $0x4000  }
0x4b: {  	[sflag:s14] =	ssyncset.done $0x0  }
0x4c: {  	[sflag:s14] =	ssyncadd.s32 $0xFFFFC000  }
0x4d: {  	[tilespmem:s4], [sflag:$0x3] =	stream.strided.gather [hbm4b:s12+s15], $0x2800, s16, s15, $0x38;
	[tilespmem:$0x1E800] =	vst v63  }
0x4e: {  	_ =	swait.ge [sflag:s14], $0x2800  }
0x4f: {  	[sflag:s14] =	ssyncset.done $0x0  }
0x50: {  	[sflag:s14] =	ssyncadd.s32 $0xFFFFD800  }
0x51: {  	[tilespmem:s16], [sflag:$0x1] =	stream.indirect.gather [hbm4b:s5+s17], $0x80, s4, s17, $0xb8;
	[tilespmem:$0x1E800] =	vst v63  }
0x52: {  	_ = 	snop  }
0x53: {  	[tilespmem:s18], [sflag:$0x2] =	stream.indirect.gather [hbm4b:s5+s17], $0x80, s17, s17, $0xb8;
	[tilespmem:$0x1E800] =	vst v63  }
0x54: {  	_ =	swait.ge [sflag:s19], $0x4000  }
0x55: {  	[sflag:s19] =	ssyncset.done $0x0  }
0x56: {  	s24 =	simm.s32 $0x1400;
	[sflag:s19] =	ssyncadd.s32 $0xFFFFC000  }
0x57: {  	[spmem:s3] =	stream.indirect.scatter.add.f32 [tilespmem:s16], [sflag:$0x3], $0x80, s24, s17, $0xb8;
	[tilespmem:$0x1E800] =	vst v63  }
0x58: {  	_ =	swait.ge [sflag:s14], $0x4000  }
0x59: {  	[sflag:s14] =	ssyncset.done $0x0  }
0x5a: {  	s30 =	simm.s32 $0x100;
	[sflag:s14] =	ssyncadd.s32 $0xFFFFC000  }
0x5b: {  	[tilespmem:s16], [sflag:$0x1] =	stream.indirect.gather [hbm4b:s5+s17], $0x80, s30, s17, $0xb8;
	[tilespmem:$0x1E800] =	vst v63  }
0x5c: {  	_ =	swait.ge [sflag:s20], $0x4000  }
0x5d: {  	[sflag:s20] =	ssyncset.done $0x0  }
0x5e: {  	s31 =	simm.s32 $0x1480;
	[sflag:s20] =	ssyncadd.s32 $0xFFFFC000  }
0x5f: {  	[spmem:s3] =	stream.indirect.scatter.add.f32 [tilespmem:s18], [sflag:$0x3], $0x80, s31, s17, $0xb8;
	[tilespmem:$0x1E800] =	vst v63  }
0x60: {  	_ =	swait.ge [sflag:s14], $0x4000  }
0x61: {  	[sflag:s14] =	ssyncset.done $0x0  }
0x62: {  	s25 =	simm.s32 $0x180;
	s24 =	simm.s32 $0x800;
	[sflag:s14] =	ssyncadd.s32 $0xFFFFC000  }
.LBB2_4:
0x63: {  	[tilespmem:s18], [sflag:$0x2] =	stream.indirect.gather [hbm4b:s5+s17], $0x80, s25, s17, $0xb8;
	[tilespmem:$0x1E800] =	vst v63  }
0x64: {  	s25 =	smov.u32 s24  }
0x65: {  	p0 =	sne.s32 s24, $0x4C00;
	s24 =	sadd.s32 $0x400, s24;
	_ =	swait.ge [sflag:s19], $0x4000  }
0x66: {  	s25 =	sshra.s32 s25, $0x2;
	[sflag:s19] =	ssyncset.done $0x0  }
0x67: {  	s26 =	sadd.s32 $0x1300, s25;
	[sflag:s19] =	ssyncadd.s32 $0xFFFFC000  }
0x68: {  	[spmem:s3] =	stream.indirect.scatter.add.f32 [tilespmem:s16], [sflag:$0x3], $0x80, s26, s17, $0xb8;
	[tilespmem:$0x1E800] =	vst v63  }
0x69: {  	_ =	swait.ge [sflag:s14], $0x4000  }
0x6a: {  	[sflag:s14] =	ssyncset.done $0x0  }
0x6b: {  	[sflag:s14] =	ssyncadd.s32 $0xFFFFC000  }
0x6c: {  	[tilespmem:s16], [sflag:$0x1] =	stream.indirect.gather [hbm4b:s5+s17], $0x80, s25, s17, $0xb8;
	[tilespmem:$0x1E800] =	vst v63  }
0x6d: {  	_ =	swait.ge [sflag:s20], $0x4000  }
0x6e: {  	[sflag:s20] =	ssyncset.done $0x0  }
.Ltmp1:
0x6f: {  	s26 =	sadd.s32 $0x1380, s25;
	[sflag:s20] =	ssyncadd.s32 $0xFFFFC000;
	(pc) =	sbr.rel @p0 .LBB2_4-.Ltmp1, $4  }
0x70: {  	[spmem:s3] =	stream.indirect.scatter.add.f32 [tilespmem:s18], [sflag:$0x3], $0x80, s26, s17, $0xb8;
	[tilespmem:$0x1E800] =	vst v63  }
0x71: {  	_ =	swait.ge [sflag:s14], $0x4000  }
0x72: {  	[sflag:s14] =	ssyncset.done $0x0  }
0x73: {  	s25 =	sadd.s32 $0x80, s25;
	[sflag:s14] =	ssyncadd.s32 $0xFFFFC000  }
0x74: {  	[tilespmem:s18], [sflag:$0x2] =	stream.indirect.gather [hbm4b:s5+s17], $0x80, s25, s17, $0xb8;
	[tilespmem:$0x1E800] =	vst v63  }
0x75: {  	_ =	swait.ge [sflag:s19], $0x4000  }
0x76: {  	[sflag:s19] =	ssyncset.done $0x0  }
0x77: {  	[sflag:s19] =	ssyncadd.s32 $0xFFFFC000  }
0x78: {  	[spmem:s3] =	stream.indirect.scatter.add.f32 [tilespmem:s16], [sflag:$0x3], $0x80, s21, s17, $0xb8;
	[tilespmem:$0x1E800] =	vst v63  }
0x79: {  	_ =	swait.ge [sflag:s14], $0x4000  }
0x7a: {  	[sflag:s14] =	ssyncset.done $0x0  }
0x7b: {  	[sflag:s14] =	ssyncadd.s32 $0xFFFFC000  }
0x7c: {  	_ =	swait.ge [sflag:s20], $0x4000  }
0x7d: {  	[sflag:s20] =	ssyncset.done $0x0  }
0x7e: {  	[sflag:s20] =	ssyncadd.s32 $0xFFFFC000  }
0x7f: {  	[spmem:s3] =	stream.indirect.scatter.add.f32 [tilespmem:s18], [sflag:$0x3], $0x80, s22, s17, $0xb8;
	[tilespmem:$0x1E800] =	vst v63  }
0x80: {  	_ =	swait.ge [sflag:s14], $0x4000  }
0x81: {  	[sflag:s14] =	ssyncset.done $0x0  }
0x82: {  	[sflag:s14] =	ssyncadd.s32 $0xFFFFC000  }
0x83: {  	[bflag:$0x0] =	sbarrier.arrive $0xFFFF  }
0x84: {  	[hbm:s8], [sflag:s7] =	dma.local [spmem:s13], $0x2800  }
0x85: {  	_ =	swait.ge [sflag:s14], $0x2800  }
0x86: {  	[sflag:s14] =	ssyncset.done $0x0  }
0x87: {  	[sflag:s14] =	ssyncadd.s32 $0xFFFFD800  }
0x88: {  	[spmem:s13], [sflag:s7] =	dma.local [hbm:s6], $0x2800  }
0x89: {  	_ =	swait.ge [sflag:s14], $0x2800  }
0x8a: {  	[sflag:s14] =	ssyncset.done $0x0  }
0x8b: {  	s24 =	simm.s32 $0x0;
	[sflag:s14] =	ssyncadd.s32 $0xFFFFD800  }
0x8c: {  	[tilespmem:s16], [sflag:$0x3] =	stream.linear.gather [hbm4b:s2+s24], $0x4000, $0x38;
	[tilespmem:$0x1E800] =	vst v63  }
0x8d: {  	_ =	swait.ge [sflag:s14], $0x4000  }
0x8e: {  	[sflag:s14] =	ssyncset.done $0x0  }
0x8f: {  	[sflag:s14] =	ssyncadd.s32 $0xFFFFC000  }
0x90: {  	[bflag:$0x0] =	sbarrier.arrive $0xFFFF  }
0x91: {  	[tilespmem:s24], [sflag:$0x3] =	stream.strided.gather [hbm4b:s11+s15], $0x2800, s16, s15, $0x38;
	[tilespmem:$0x1E800] =	vst v63  }
0x92: {  	_ =	swait.ge [sflag:s14], $0x2800  }
0x93: {  	[sflag:s14] =	ssyncset.done $0x0  }
0x94: {  	s31 =	simm.s32 $0x1400;
	[sflag:s14] =	ssyncadd.s32 $0xFFFFD800  }
0x95: {  	[spmem:s3] =	stream.indirect.scatter.add.f32 [tilespmem:s16], [sflag:$0x3], $0x80, s31, s17, $0xb8;
	[tilespmem:$0x1E800] =	vst v63  }
0x96: {  	s24 =	simm.s32 $0x200;
	_ =	swait.ge [sflag:s14], $0x4000  }
.LBB2_6:
0x97: {  	s25 =	sshra.s32 s24, $0x2;
	[sflag:s14] =	ssyncset.done $0x0;
	p0 =	sne.s32 s24, $0x4E00  }
.Ltmp2:
0x98: {  	s25 =	sadd.s32 $0x1400, s25;
	[sflag:s14] =	ssyncadd.s32 $0xFFFFC000;
	(pc) =	sbr.rel @p0 .LBB2_6-.Ltmp2, $3  }
0x99: {  	[spmem:s3] =	stream.indirect.scatter.add.f32 [tilespmem:s16], [sflag:$0x3], $0x80, s25, s17, $0xb8;
	[tilespmem:$0x1E800] =	vst v63  }
0x9a: {  	s24 =	sadd.s32 $0x200, s24;
	_ =	sdelay $0x1  }
0x9b: {  	_ =	swait.ge [sflag:s14], $0x4000  }
0x9c: {  	[sflag:s14] =	ssyncset.done $0x0  }
0x9d: {  	s24 =	simm.s32 $0x0;
	[sflag:s14] =	ssyncadd.s32 $0xFFFFC000  }
0x9e: {  	[tilespmem:s24], [sflag:$0x3] =	stream.strided.gather [hbm4b:s12+s15], $0x2800, s16, s15, $0x38;
	[tilespmem:$0x1E800] =	vst v63  }
0x9f: {  	_ =	swait.ge [sflag:s14], $0x2800  }
0xa0: {  	[sflag:s14] =	ssyncset.done $0x0  }
0xa1: {  	s31 =	simm.s32 $0x1400;
	[sflag:s14] =	ssyncadd.s32 $0xFFFFD800  }
0xa2: {  	[spmem:s3] =	stream.indirect.scatter.add.f32 [tilespmem:s16], [sflag:$0x3], $0x80, s31, s17, $0xb8;
	[tilespmem:$0x1E800] =	vst v63  }
0xa3: {  	s24 =	simm.s32 $0x200;
	_ =	swait.ge [sflag:s14], $0x4000  }
.LBB2_8:
0xa4: {  	s25 =	sshra.s32 s24, $0x2;
	[sflag:s14] =	ssyncset.done $0x0;
	p0 =	sne.s32 s24, $0x4E00  }
.Ltmp3:
0xa5: {  	s25 =	sadd.s32 $0x1400, s25;
	[sflag:s14] =	ssyncadd.s32 $0xFFFFC000;
	(pc) =	sbr.rel @p0 .LBB2_8-.Ltmp3, $3  }
0xa6: {  	[spmem:s3] =	stream.indirect.scatter.add.f32 [tilespmem:s16], [sflag:$0x3], $0x80, s25, s17, $0xb8;
	[tilespmem:$0x1E800] =	vst v63  }
0xa7: {  	s24 =	sadd.s32 $0x200, s24;
	_ =	sdelay $0x1  }
0xa8: {  	_ =	swait.ge [sflag:s14], $0x4000  }
0xa9: {  	[sflag:s14] =	ssyncset.done $0x0;
	s23 =	sadd.s32 $0x1, s23  }
0xaa: {  	[sflag:s14] =	ssyncadd.s32 $0xFFFFC000;
	p0 =	sne.s32 s23, s10  }
.Ltmp4:
0xab: {  	[bflag:$0x0] =	sbarrier.arrive $0xFFFF;
	(pc) =	sbr.rel @p0 .LBB2_1-.Ltmp4, $4  }
0xac: {  	[hbm:s9], [sflag:s7] =	dma.local [spmem:s13], $0x2800  }
0xad: {  	_ =	swait.ge [sflag:s14], $0x2800  }
0xae: {  	[sflag:s14] =	ssyncset.done $0x0  }
0xaf: {  	[sflag:s14] =	ssyncadd.s32 $0xFFFFD800  }
0xb0: {  	_ =	sfence.sel $0x180000  }
0xb1: {  	[bflag:$0x0] =	sbarrier.arrive $0xFFFF  }
0xb2: {  	p0 =	sne.s32 s0, $0x0;
	_ =	strace $0x90000047  }
0xb3: {  	s0 =	sadd.s32 @!p0 $0x100000, s1;
	[bflag:$0x2] =	sbarrier.arrive $0xFFFF  }
0xb4: {  	[sflag:s0] =	ssyncadd.tile.s32 @!p0 $0x1;
	_ =	shalt  }
.Lfunc_end2:
_tile_overlayer_lowered:
.L_overlay_start_2:
0xb5: {  	(tag) =	ssettag $0x2  }
0xb6: {  	s0 =	rddreg [dreg:$0x0];
	s2 =	stileid.u32  }
0xb7: {  	s1 =	rddreg [dreg:$0x1];
	p0 =	sne.s32 s2, $0x0  }
0xb8: {  	s3 =	rddreg [dreg:$0x2];
	[bflag:$0x3] =	sbarrier.arrive $0xFFFF;
	s2 =	simm.s32 @!p0 $0x1C03  }
0xb9: {  	[timem:s3], [sflag:s2] =	dma.local @!p0 [hbm:s0], s1  }
0xba: {  	s0 =	simm.s32 @!p0 $0x3  }
0xbb: {  	_ =	swait.ge @!p0 [sflag:s0], s1  }
0xbc: {  	s1 =	ssub.s32 @!p0 $0x0, s1;
	[sflag:s0] =	ssyncset.done @!p0 $0x0  }
0xbd: {  	[sflag:s0] =	ssyncadd.s32 @!p0 s1  }
0xbe: {  	[bflag:$0x3] =	sbarrier.arrive $0xFFFF  }
0xbf: {  	_ =	shalt  }

</sc_bundles>
